<compile_context>
chip_gen: v7x
topology: tpu7x:2x2x1
jax: 0.10.2.dev20260603
libtpu: 0.0.44.dev20260713+nightly
codegen_flags: <defaults>
</compile_context>

<pallas_src>
import functools

import jax
import jax.numpy as jnp
from jax import lax
from jax.experimental import pallas as pl
from jax.experimental.pallas import tpu as pltpu
from jax.experimental.pallas import tpu_sc as plsc

NC = 2
NS = 16
NW = NC * NS
L = 16

CHUNK = 40
NBAND = 8
DPAD = NBAND * 128


def kernel(idx, table):
    B, H = idx.shape
    V, D = table.shape
    n = B * H
    per_w = n // NW
    n_chunks = per_w // CHUNK
    bat_per_w = B // NW
    chunks_per_b = H // CHUNK
    idx_pad = per_w + L

    mesh = plsc.VectorSubcoreMesh(
        core_axis_name="c", subcore_axis_name="s",
        num_cores=NC, num_subcores=NS,
    )

    @functools.partial(
        pl.kernel,
        out_type=jax.ShapeDtypeStruct((B, H, D), jnp.float32),
        mesh=mesh,
        scratch_types=[
            pltpu.VMEM((idx_pad,), jnp.int32),
            pltpu.VMEM((CHUNK, D), jnp.float32),
            pltpu.VMEM((CHUNK, D), jnp.float32),
            pltpu.VMEM((NBAND, 128), jnp.int32),
            pltpu.VMEM((NBAND, 128), jnp.int32),
            pltpu.SemaphoreType.DMA,
            pltpu.SemaphoreType.DMA,
        ],
    )
    def gather_k(idx_hbm, timg_hbm, out_hbm, pidx_v, buf0, buf1, pb0, pb1,
                 sem0, sem1):
        wid = lax.axis_index("s") * NC + lax.axis_index("c")
        base = wid * per_w
        bat0 = wid * bat_per_w
        pltpu.sync_copy(idx_hbm.at[pl.ds(base, per_w)], pidx_v.at[pl.ds(0, per_w)])

        @pl.loop(0, per_w // L)
        def _(k):
            v = pidx_v[pl.ds(k * L, L)]
            pidx_v[pl.ds(k * L, L)] = ((v >> 3) << 6) | (v & 7)

        def fill_bands(i, pb):
            for j in range((CHUNK + L - 1) // L):
                v = pidx_v[pl.ds(i * CHUNK + j * L, L)]
                for t in range(NBAND):
                    pb[t, pl.ds(j * L, L)] = v + 8 * t

        def gather(pb, buf, sem):
            for t in range(NBAND):
                if 128 * (t + 1) <= D:
                    dst = buf.at[:, pl.ds(128 * t, 128)]
                else:
                    start = pl.multiple_of(128 * t + wid * 0, 128)
                    dst = buf.at[:, pl.ds(start, 128)]
                pltpu.async_copy(
                    timg_hbm.at[pb.at[t, pl.ds(0, CHUNK)]],
                    dst,
                    sem,
                )

        def wait_bands(buf, sem):
            for t in range(NBAND):
                pltpu.make_async_copy(
                    timg_hbm.at[pl.ds(0, CHUNK)],
                    buf.at[:, pl.ds(0, 128)],
                    sem,
                ).wait()

        def scatter(i, buf):
            b = bat0 + i // chunks_per_b
            h = (i % chunks_per_b) * CHUNK
            pltpu.sync_copy(buf, out_hbm.at[b].at[pl.ds(h, CHUNK)])

        fill_bands(0, pb0)
        gather(pb0, buf0, sem0)

        @pl.loop(0, n_chunks, step=2)
        def _(i):
            fill_bands(i + 1, pb1)
            gather(pb1, buf1, sem1)
            wait_bands(buf0, sem0)
            scatter(i, buf0)

            @pl.when(i + 2 < n_chunks)
            def _():
                fill_bands(i + 2, pb0)
                gather(pb0, buf0, sem0)

            wait_bands(buf1, sem1)
            scatter(i + 1, buf1)

    tp = jnp.pad(table, ((0, 0), (0, DPAD - D)))
    timg = tp.reshape(V // 8, 8, NBAND, 128).transpose(0, 2, 1, 3).reshape(V * NBAND, 128)
    return gather_k(idx.reshape(n).astype(jnp.int32), timg)

# --- scband reference (transcript-rebuilt; emitter-appended) ---
"""Pipeline reference for scband-bigram-18743237280054 (READ-ONLY COPY).

The authoritative reference and input builder live on the scoring server;
editing this copy changes nothing except your own understanding.
"""

import jax, jax.numpy as jnp
import numpy as np

VOCAB = 1000
BATCH = 1024
HIST = 200

def setup_inputs(seed: int = 0) -> dict:
    key = jax.random.key(seed)
    k_idx, k_tab = jax.random.split(key)
    idx = jax.random.randint(k_idx, (BATCH, HIST), 0, VOCAB, dtype=jnp.int64 if jax.config.jax_enable_x64 else jnp.int32)
    table = jax.random.normal(k_tab, (VOCAB, VOCAB), dtype=jnp.float32)
    return {"idx": idx, "table": table}

def reference(idx, table):
    # Bigram.forward: logits = embedding_table(idx)
    logits = jnp.take(table, idx, axis=0)
    return logits

if __name__ == "__main__":
    import jax
    _d = setup_inputs()
    print(jax.jit(kernel)(*tuple(_d.values())))

</pallas_src>

<mosaic_0001>
#map = affine_map<(d0, d1) -> (0)>
#map1 = affine_map<(d0, d1) -> (0, 0)>
#map2 = affine_map<(d0, d1) -> (0, 0, 0)>
module attributes {stable_mosaic.version = 14 : i64} {
  func.func @gather_k(%arg0: i32, %arg1: i32, %arg2: memref<204800xi32, #tpu.memory_space<hbm>>, %arg3: memref<8000x128xf32, #tpu.memory_space<hbm>>, %arg4: memref<1024x200x1000xf32, #tpu.memory_space<hbm>>, %arg5: memref<6416xi32, #tpu.memory_space<vmem>>, %arg6: memref<40x1000xf32, #tpu.memory_space<vmem>>, %arg7: memref<40x1000xf32, #tpu.memory_space<vmem>>, %arg8: memref<8x128xi32, #tpu.memory_space<vmem>>, %arg9: memref<8x128xi32, #tpu.memory_space<vmem>>, %arg10: memref<!tpu.dma_semaphore, #tpu.memory_space<semaphore_mem>>, %arg11: memref<!tpu.dma_semaphore, #tpu.memory_space<semaphore_mem>>) attributes {dimension_semantics = [#tpu.dimension_semantics<core_parallel>, #tpu.dimension_semantics<subcore_parallel>], iteration_bounds = array<i64: 2, 16>, scalar_prefetch = 0 : i64, scratch_operands = 7 : i64, tpu.core_type = #tpu.core_type<sc_vector_subcore>, window_params = [{transform_indices = #map}, {transform_indices = #map1}, {transform_indices = #map2}]} {
    %mul3A = arith.constant 2 : i32
    %mul3A_0 = arith.muli %arg1, %mul3A : i32
    %add3A = arith.addi %mul3A_0, %arg0 : i32
    %mul3A_1 = arith.constant 6400 : i32
    %mul3A_2 = arith.muli %add3A, %mul3A_1 : i32
    %mul3A_3 = arith.constant 32 : i32
    %mul3A_4 = arith.muli %add3A, %mul3A_3 : i32
    "tpu.region"() ({
      %run_scoped3A = tpu.sem_alloc : memref<!tpu.dma_semaphore, #tpu.memory_space<semaphore_mem>>
      %dma_start3A_319 = arith.constant 0 : i32
      %dma_start3A_320 = tpu.memref_slice %arg5[%dma_start3A_319] : memref<6416xi32, #tpu.memory_space<vmem>> -> memref<6400xi32, #tpu.memory_space<vmem>>
      %dma_start3A_321 = tpu.memref_slice %arg2[%mul3A_2] : memref<204800xi32, #tpu.memory_space<hbm>> -> memref<6400xi32, #tpu.memory_space<hbm>>
      %dma_start3A_322 = arith.constant 0 : i32
      %dma_start3A_323 = tpu.memref_slice %arg5[%dma_start3A_322] : memref<6416xi32, #tpu.memory_space<vmem>> -> memref<6400xi32, #tpu.memory_space<vmem>>
      %dma_start3A_324 = tpu.memref_slice %arg2[%mul3A_2] : memref<204800xi32, #tpu.memory_space<hbm>> -> memref<6400xi32, #tpu.memory_space<hbm>>
      tpu.enqueue_dma source(%dma_start3A_324 : memref<6400xi32, #tpu.memory_space<hbm>>) target(%dma_start3A_323 : memref<6400xi32, #tpu.memory_space<vmem>>) target_semaphore(%run_scoped3A : memref<!tpu.dma_semaphore, #tpu.memory_space<semaphore_mem>>)
      %dma_wait3A = arith.constant 0 : i32
      %dma_wait3A_325 = tpu.memref_slice %arg5[%dma_wait3A] : memref<6416xi32, #tpu.memory_space<vmem>> -> memref<6400xi32, #tpu.memory_space<vmem>>
      %dma_wait3A_326 = tpu.memref_slice %arg2[%mul3A_2] : memref<204800xi32, #tpu.memory_space<hbm>> -> memref<6400xi32, #tpu.memory_space<hbm>>
      %dma_wait3A_327 = arith.constant 0 : i32
      %dma_wait3A_328 = tpu.memref_slice %arg5[%dma_wait3A_327] : memref<6416xi32, #tpu.memory_space<vmem>> -> memref<6400xi32, #tpu.memory_space<vmem>>
      %dma_wait3A_329 = tpu.memref_slice %arg2[%mul3A_2] : memref<204800xi32, #tpu.memory_space<hbm>> -> memref<6400xi32, #tpu.memory_space<hbm>>
      tpu.wait_dma2 semaphore(%run_scoped3A : memref<!tpu.dma_semaphore, #tpu.memory_space<semaphore_mem>>) src(%dma_wait3A_329 : memref<6400xi32, #tpu.memory_space<hbm>>) dst(%dma_wait3A_328 : memref<6400xi32, #tpu.memory_space<vmem>>)
      tpu.yield
    }) : () -> ()
    %scan3A = arith.constant 0 : i32
    %scan3A_5 = arith.constant 400 : i32
    %scan3A_6 = arith.addi %scan3A, %scan3A_5 : i32
    %scan3A_7 = arith.constant 1 : i32
    scf.for %scan3A_319 = %scan3A to %scan3A_6 step %scan3A_7  : i32 {
      %mul3A_320 = arith.constant 1 : i32
      %mul3A_321 = arith.muli %scan3A_319, %mul3A_320 : i32
      %add3A_322 = arith.constant 0 : i32
      %add3A_323 = arith.addi %add3A_322, %mul3A_321 : i32
      %mul3A_324 = arith.constant 16 : i32
      %mul3A_325 = arith.muli %add3A_323, %mul3A_324 : i32
      %get3A_326 = arith.index_cast %mul3A_325 : i32 to index
      %get3A_327 = tpu.vector_load %arg5[%get3A_326] {strides = array<i32>} : memref<6416xi32, #tpu.memory_space<vmem>>, vector<16xi32>,
      %get3A_328 = vector.shape_cast %get3A_327 : vector<16xi32> to vector<16xi32>
      %shift_right_arithmetic3A = arith.constant 3 : i32
      %shift_right_arithmetic3A_329 = vector.broadcast %shift_right_arithmetic3A : i32 to vector<16xi32>
      %shift_right_arithmetic3A_330 = arith.shrsi %get3A_328, %shift_right_arithmetic3A_329 : vector<16xi32>
      %shift_left3A = arith.constant 6 : i32
      %shift_left3A_331 = vector.broadcast %shift_left3A : i32 to vector<16xi32>
      %shift_left3A_332 = arith.shli %shift_right_arithmetic3A_330, %shift_left3A_331 : vector<16xi32>
      %and3A = arith.constant 7 : i32
      %and3A_333 = vector.broadcast %and3A : i32 to vector<16xi32>
      %and3A_334 = arith.andi %get3A_328, %and3A_333 : vector<16xi32>
      %or3A = arith.ori %shift_left3A_332, %and3A_334 : vector<16xi32>
      %mul3A_335 = arith.constant 16 : i32
      %mul3A_336 = arith.muli %add3A_323, %mul3A_335 : i32
      %swap3A_337 = arith.index_cast %mul3A_336 : i32 to index
      %swap3A_338 = tpu.vector_load %arg5[%swap3A_337] {strides = array<i32>} : memref<6416xi32, #tpu.memory_space<vmem>>, vector<16xi32>,
      %swap3A_339 = vector.shape_cast %swap3A_338 : vector<16xi32> to vector<16xi32>
      %swap3A_340 = vector.shape_cast %or3A : vector<16xi32> to vector<16xi32>
      tpu.vector_store %arg5[%swap3A_337], %swap3A_340 {strides = array<i32>} : memref<6416xi32, #tpu.memory_space<vmem>>, vector<16xi32>,
    }
    %scan3A_8 = arith.constant 400 : i32
    %get3A = arith.constant 0 : index
    %get3A_9 = tpu.vector_load %arg5[%get3A] {strides = array<i32>} : memref<6416xi32, #tpu.memory_space<vmem>>, vector<16xi32>,
    %get3A_10 = vector.shape_cast %get3A_9 : vector<16xi32> to vector<16xi32>
    %add3A_11 = arith.constant 0 : i32
    %add3A_12 = vector.broadcast %add3A_11 : i32 to vector<16xi32>
    %add3A_13 = arith.addi %get3A_10, %add3A_12 : vector<16xi32>
    %swap3A = arith.constant 0 : i32
    %swap3A_14 = arith.index_cast %swap3A : i32 to index
    %swap3A_15 = arith.constant 0 : index
    %swap3A_16 = tpu.vector_load %arg8[%swap3A_14, %swap3A_15] {strides = array<i32>} : memref<8x128xi32, #tpu.memory_space<vmem>>, vector<1x16xi32>,
    %swap3A_17 = vector.shape_cast %swap3A_16 : vector<1x16xi32> to vector<16xi32>
    %swap3A_18 = vector.shape_cast %add3A_13 : vector<16xi32> to vector<1x16xi32>
    tpu.vector_store %arg8[%swap3A_14, %swap3A_15], %swap3A_18 {strides = array<i32>} : memref<8x128xi32, #tpu.memory_space<vmem>>, vector<1x16xi32>,
    %add3A_19 = arith.constant 8 : i32
    %add3A_20 = vector.broadcast %add3A_19 : i32 to vector<16xi32>
    %add3A_21 = arith.addi %get3A_10, %add3A_20 : vector<16xi32>
    %swap3A_22 = arith.constant 1 : i32
    %swap3A_23 = arith.index_cast %swap3A_22 : i32 to index
    %swap3A_24 = arith.constant 0 : index
    %swap3A_25 = tpu.vector_load %arg8[%swap3A_23, %swap3A_24] {strides = array<i32>} : memref<8x128xi32, #tpu.memory_space<vmem>>, vector<1x16xi32>,
    %swap3A_26 = vector.shape_cast %swap3A_25 : vector<1x16xi32> to vector<16xi32>
    %swap3A_27 = vector.shape_cast %add3A_21 : vector<16xi32> to vector<1x16xi32>
    tpu.vector_store %arg8[%swap3A_23, %swap3A_24], %swap3A_27 {strides = array<i32>} : memref<8x128xi32, #tpu.memory_space<vmem>>, vector<1x16xi32>,
    %add3A_28 = arith.constant 16 : i32
    %add3A_29 = vector.broadcast %add3A_28 : i32 to vector<16xi32>
    %add3A_30 = arith.addi %get3A_10, %add3A_29 : vector<16xi32>
    %swap3A_31 = arith.constant 2 : i32
    %swap3A_32 = arith.index_cast %swap3A_31 : i32 to index
    %swap3A_33 = arith.constant 0 : index
    %swap3A_34 = tpu.vector_load %arg8[%swap3A_32, %swap3A_33] {strides = array<i32>} : memref<8x128xi32, #tpu.memory_space<vmem>>, vector<1x16xi32>,
    %swap3A_35 = vector.shape_cast %swap3A_34 : vector<1x16xi32> to vector<16xi32>
    %swap3A_36 = vector.shape_cast %add3A_30 : vector<16xi32> to vector<1x16xi32>
    tpu.vector_store %arg8[%swap3A_32, %swap3A_33], %swap3A_36 {strides = array<i32>} : memref<8x128xi32, #tpu.memory_space<vmem>>, vector<1x16xi32>,
    %add3A_37 = arith.constant 24 : i32
    %add3A_38 = vector.broadcast %add3A_37 : i32 to vector<16xi32>
    %add3A_39 = arith.addi %get3A_10, %add3A_38 : vector<16xi32>
    %swap3A_40 = arith.constant 3 : i32
    %swap3A_41 = arith.index_cast %swap3A_40 : i32 to index
    %swap3A_42 = arith.constant 0 : index
    %swap3A_43 = tpu.vector_load %arg8[%swap3A_41, %swap3A_42] {strides = array<i32>} : memref<8x128xi32, #tpu.memory_space<vmem>>, vector<1x16xi32>,
    %swap3A_44 = vector.shape_cast %swap3A_43 : vector<1x16xi32> to vector<16xi32>
    %swap3A_45 = vector.shape_cast %add3A_39 : vector<16xi32> to vector<1x16xi32>
    tpu.vector_store %arg8[%swap3A_41, %swap3A_42], %swap3A_45 {strides = array<i32>} : memref<8x128xi32, #tpu.memory_space<vmem>>, vector<1x16xi32>,
    %add3A_46 = arith.constant 32 : i32
    %add3A_47 = vector.broadcast %add3A_46 : i32 to vector<16xi32>
    %add3A_48 = arith.addi %get3A_10, %add3A_47 : vector<16xi32>
    %swap3A_49 = arith.constant 4 : i32
    %swap3A_50 = arith.index_cast %swap3A_49 : i32 to index
    %swap3A_51 = arith.constant 0 : index
    %swap3A_52 = tpu.vector_load %arg8[%swap3A_50, %swap3A_51] {strides = array<i32>} : memref<8x128xi32, #tpu.memory_space<vmem>>, vector<1x16xi32>,
    %swap3A_53 = vector.shape_cast %swap3A_52 : vector<1x16xi32> to vector<16xi32>
    %swap3A_54 = vector.shape_cast %add3A_48 : vector<16xi32> to vector<1x16xi32>
    tpu.vector_store %arg8[%swap3A_50, %swap3A_51], %swap3A_54 {strides = array<i32>} : memref<8x128xi32, #tpu.memory_space<vmem>>, vector<1x16xi32>,
    %add3A_55 = arith.constant 40 : i32
    %add3A_56 = vector.broadcast %add3A_55 : i32 to vector<16xi32>
    %add3A_57 = arith.addi %get3A_10, %add3A_56 : vector<16xi32>
    %swap3A_58 = arith.constant 5 : i32
    %swap3A_59 = arith.index_cast %swap3A_58 : i32 to index
    %swap3A_60 = arith.constant 0 : index
    %swap3A_61 = tpu.vector_load %arg8[%swap3A_59, %swap3A_60] {strides = array<i32>} : memref<8x128xi32, #tpu.memory_space<vmem>>, vector<1x16xi32>,
    %swap3A_62 = vector.shape_cast %swap3A_61 : vector<1x16xi32> to vector<16xi32>
    %swap3A_63 = vector.shape_cast %add3A_57 : vector<16xi32> to vector<1x16xi32>
    tpu.vector_store %arg8[%swap3A_59, %swap3A_60], %swap3A_63 {strides = array<i32>} : memref<8x128xi32, #tpu.memory_space<vmem>>, vector<1x16xi32>,
    %add3A_64 = arith.constant 48 : i32
    %add3A_65 = vector.broadcast %add3A_64 : i32 to vector<16xi32>
    %add3A_66 = arith.addi %get3A_10, %add3A_65 : vector<16xi32>
    %swap3A_67 = arith.constant 6 : i32
    %swap3A_68 = arith.index_cast %swap3A_67 : i32 to index
    %swap3A_69 = arith.constant 0 : index
    %swap3A_70 = tpu.vector_load %arg8[%swap3A_68, %swap3A_69] {strides = array<i32>} : memref<8x128xi32, #tpu.memory_space<vmem>>, vector<1x16xi32>,
    %swap3A_71 = vector.shape_cast %swap3A_70 : vector<1x16xi32> to vector<16xi32>
    %swap3A_72 = vector.shape_cast %add3A_66 : vector<16xi32> to vector<1x16xi32>
    tpu.vector_store %arg8[%swap3A_68, %swap3A_69], %swap3A_72 {strides = array<i32>} : memref<8x128xi32, #tpu.memory_space<vmem>>, vector<1x16xi32>,
    %add3A_73 = arith.constant 56 : i32
    %add3A_74 = vector.broadcast %add3A_73 : i32 to vector<16xi32>
    %add3A_75 = arith.addi %get3A_10, %add3A_74 : vector<16xi32>
    %swap3A_76 = arith.constant 7 : i32
    %swap3A_77 = arith.index_cast %swap3A_76 : i32 to index
    %swap3A_78 = arith.constant 0 : index
    %swap3A_79 = tpu.vector_load %arg8[%swap3A_77, %swap3A_78] {strides = array<i32>} : memref<8x128xi32, #tpu.memory_space<vmem>>, vector<1x16xi32>,
    %swap3A_80 = vector.shape_cast %swap3A_79 : vector<1x16xi32> to vector<16xi32>
    %swap3A_81 = vector.shape_cast %add3A_75 : vector<16xi32> to vector<1x16xi32>
    tpu.vector_store %arg8[%swap3A_77, %swap3A_78], %swap3A_81 {strides = array<i32>} : memref<8x128xi32, #tpu.memory_space<vmem>>, vector<1x16xi32>,
    %get3A_82 = arith.constant 16 : index
    %get3A_83 = tpu.vector_load %arg5[%get3A_82] {strides = array<i32>} : memref<6416xi32, #tpu.memory_space<vmem>>, vector<16xi32>,
    %get3A_84 = vector.shape_cast %get3A_83 : vector<16xi32> to vector<16xi32>
    %add3A_85 = arith.constant 0 : i32
    %add3A_86 = vector.broadcast %add3A_85 : i32 to vector<16xi32>
    %add3A_87 = arith.addi %get3A_84, %add3A_86 : vector<16xi32>
    %swap3A_88 = arith.constant 0 : i32
    %swap3A_89 = arith.index_cast %swap3A_88 : i32 to index
    %swap3A_90 = arith.constant 16 : index
    %swap3A_91 = tpu.vector_load %arg8[%swap3A_89, %swap3A_90] {strides = array<i32>} : memref<8x128xi32, #tpu.memory_space<vmem>>, vector<1x16xi32>,
    %swap3A_92 = vector.shape_cast %swap3A_91 : vector<1x16xi32> to vector<16xi32>
    %swap3A_93 = vector.shape_cast %add3A_87 : vector<16xi32> to vector<1x16xi32>
    tpu.vector_store %arg8[%swap3A_89, %swap3A_90], %swap3A_93 {strides = array<i32>} : memref<8x128xi32, #tpu.memory_space<vmem>>, vector<1x16xi32>,
    %add3A_94 = arith.constant 8 : i32
    %add3A_95 = vector.broadcast %add3A_94 : i32 to vector<16xi32>
    %add3A_96 = arith.addi %get3A_84, %add3A_95 : vector<16xi32>
    %swap3A_97 = arith.constant 1 : i32
    %swap3A_98 = arith.index_cast %swap3A_97 : i32 to index
    %swap3A_99 = arith.constant 16 : index
    %swap3A_100 = tpu.vector_load %arg8[%swap3A_98, %swap3A_99] {strides = array<i32>} : memref<8x128xi32, #tpu.memory_space<vmem>>, vector<1x16xi32>,
    %swap3A_101 = vector.shape_cast %swap3A_100 : vector<1x16xi32> to vector<16xi32>
    %swap3A_102 = vector.shape_cast %add3A_96 : vector<16xi32> to vector<1x16xi32>
    tpu.vector_store %arg8[%swap3A_98, %swap3A_99], %swap3A_102 {strides = array<i32>} : memref<8x128xi32, #tpu.memory_space<vmem>>, vector<1x16xi32>,
    %add3A_103 = arith.constant 16 : i32
    %add3A_104 = vector.broadcast %add3A_103 : i32 to vector<16xi32>
    %add3A_105 = arith.addi %get3A_84, %add3A_104 : vector<16xi32>
    %swap3A_106 = arith.constant 2 : i32
    %swap3A_107 = arith.index_cast %swap3A_106 : i32 to index
    %swap3A_108 = arith.constant 16 : index
    %swap3A_109 = tpu.vector_load %arg8[%swap3A_107, %swap3A_108] {strides = array<i32>} : memref<8x128xi32, #tpu.memory_space<vmem>>, vector<1x16xi32>,
    %swap3A_110 = vector.shape_cast %swap3A_109 : vector<1x16xi32> to vector<16xi32>
    %swap3A_111 = vector.shape_cast %add3A_105 : vector<16xi32> to vector<1x16xi32>
    tpu.vector_store %arg8[%swap3A_107, %swap3A_108], %swap3A_111 {strides = array<i32>} : memref<8x128xi32, #tpu.memory_space<vmem>>, vector<1x16xi32>,
    %add3A_112 = arith.constant 24 : i32
    %add3A_113 = vector.broadcast %add3A_112 : i32 to vector<16xi32>
    %add3A_114 = arith.addi %get3A_84, %add3A_113 : vector<16xi32>
    %swap3A_115 = arith.constant 3 : i32
    %swap3A_116 = arith.index_cast %swap3A_115 : i32 to index
    %swap3A_117 = arith.constant 16 : index
    %swap3A_118 = tpu.vector_load %arg8[%swap3A_116, %swap3A_117] {strides = array<i32>} : memref<8x128xi32, #tpu.memory_space<vmem>>, vector<1x16xi32>,
    %swap3A_119 = vector.shape_cast %swap3A_118 : vector<1x16xi32> to vector<16xi32>
    %swap3A_120 = vector.shape_cast %add3A_114 : vector<16xi32> to vector<1x16xi32>
    tpu.vector_store %arg8[%swap3A_116, %swap3A_117], %swap3A_120 {strides = array<i32>} : memref<8x128xi32, #tpu.memory_space<vmem>>, vector<1x16xi32>,
    %add3A_121 = arith.constant 32 : i32
    %add3A_122 = vector.broadcast %add3A_121 : i32 to vector<16xi32>
    %add3A_123 = arith.addi %get3A_84, %add3A_122 : vector<16xi32>
    %swap3A_124 = arith.constant 4 : i32
    %swap3A_125 = arith.index_cast %swap3A_124 : i32 to index
    %swap3A_126 = arith.constant 16 : index
    %swap3A_127 = tpu.vector_load %arg8[%swap3A_125, %swap3A_126] {strides = array<i32>} : memref<8x128xi32, #tpu.memory_space<vmem>>, vector<1x16xi32>,
    %swap3A_128 = vector.shape_cast %swap3A_127 : vector<1x16xi32> to vector<16xi32>
    %swap3A_129 = vector.shape_cast %add3A_123 : vector<16xi32> to vector<1x16xi32>
    tpu.vector_store %arg8[%swap3A_125, %swap3A_126], %swap3A_129 {strides = array<i32>} : memref<8x128xi32, #tpu.memory_space<vmem>>, vector<1x16xi32>,
    %add3A_130 = arith.constant 40 : i32
    %add3A_131 = vector.broadcast %add3A_130 : i32 to vector<16xi32>
    %add3A_132 = arith.addi %get3A_84, %add3A_131 : vector<16xi32>
    %swap3A_133 = arith.constant 5 : i32
    %swap3A_134 = arith.index_cast %swap3A_133 : i32 to index
    %swap3A_135 = arith.constant 16 : index
    %swap3A_136 = tpu.vector_load %arg8[%swap3A_134, %swap3A_135] {strides = array<i32>} : memref<8x128xi32, #tpu.memory_space<vmem>>, vector<1x16xi32>,
    %swap3A_137 = vector.shape_cast %swap3A_136 : vector<1x16xi32> to vector<16xi32>
    %swap3A_138 = vector.shape_cast %add3A_132 : vector<16xi32> to vector<1x16xi32>
    tpu.vector_store %arg8[%swap3A_134, %swap3A_135], %swap3A_138 {strides = array<i32>} : memref<8x128xi32, #tpu.memory_space<vmem>>, vector<1x16xi32>,
    %add3A_139 = arith.constant 48 : i32
    %add3A_140 = vector.broadcast %add3A_139 : i32 to vector<16xi32>
    %add3A_141 = arith.addi %get3A_84, %add3A_140 : vector<16xi32>
    %swap3A_142 = arith.constant 6 : i32
    %swap3A_143 = arith.index_cast %swap3A_142 : i32 to index
    %swap3A_144 = arith.constant 16 : index
    %swap3A_145 = tpu.vector_load %arg8[%swap3A_143, %swap3A_144] {strides = array<i32>} : memref<8x128xi32, #tpu.memory_space<vmem>>, vector<1x16xi32>,
    %swap3A_146 = vector.shape_cast %swap3A_145 : vector<1x16xi32> to vector<16xi32>
    %swap3A_147 = vector.shape_cast %add3A_141 : vector<16xi32> to vector<1x16xi32>
    tpu.vector_store %arg8[%swap3A_143, %swap3A_144], %swap3A_147 {strides = array<i32>} : memref<8x128xi32, #tpu.memory_space<vmem>>, vector<1x16xi32>,
    %add3A_148 = arith.constant 56 : i32
    %add3A_149 = vector.broadcast %add3A_148 : i32 to vector<16xi32>
    %add3A_150 = arith.addi %get3A_84, %add3A_149 : vector<16xi32>
    %swap3A_151 = arith.constant 7 : i32
    %swap3A_152 = arith.index_cast %swap3A_151 : i32 to index
    %swap3A_153 = arith.constant 16 : index
    %swap3A_154 = tpu.vector_load %arg8[%swap3A_152, %swap3A_153] {strides = array<i32>} : memref<8x128xi32, #tpu.memory_space<vmem>>, vector<1x16xi32>,
    %swap3A_155 = vector.shape_cast %swap3A_154 : vector<1x16xi32> to vector<16xi32>
    %swap3A_156 = vector.shape_cast %add3A_150 : vector<16xi32> to vector<1x16xi32>
    tpu.vector_store %arg8[%swap3A_152, %swap3A_153], %swap3A_156 {strides = array<i32>} : memref<8x128xi32, #tpu.memory_space<vmem>>, vector<1x16xi32>,
    %get3A_157 = arith.constant 32 : index
    %get3A_158 = tpu.vector_load %arg5[%get3A_157] {strides = array<i32>} : memref<6416xi32, #tpu.memory_space<vmem>>, vector<16xi32>,
    %get3A_159 = vector.shape_cast %get3A_158 : vector<16xi32> to vector<16xi32>
    %add3A_160 = arith.constant 0 : i32
    %add3A_161 = vector.broadcast %add3A_160 : i32 to vector<16xi32>
    %add3A_162 = arith.addi %get3A_159, %add3A_161 : vector<16xi32>
    %swap3A_163 = arith.constant 0 : i32
    %swap3A_164 = arith.index_cast %swap3A_163 : i32 to index
    %swap3A_165 = arith.constant 32 : index
    %swap3A_166 = tpu.vector_load %arg8[%swap3A_164, %swap3A_165] {strides = array<i32>} : memref<8x128xi32, #tpu.memory_space<vmem>>, vector<1x16xi32>,
    %swap3A_167 = vector.shape_cast %swap3A_166 : vector<1x16xi32> to vector<16xi32>
    %swap3A_168 = vector.shape_cast %add3A_162 : vector<16xi32> to vector<1x16xi32>
    tpu.vector_store %arg8[%swap3A_164, %swap3A_165], %swap3A_168 {strides = array<i32>} : memref<8x128xi32, #tpu.memory_space<vmem>>, vector<1x16xi32>,
    %add3A_169 = arith.constant 8 : i32
    %add3A_170 = vector.broadcast %add3A_169 : i32 to vector<16xi32>
    %add3A_171 = arith.addi %get3A_159, %add3A_170 : vector<16xi32>
    %swap3A_172 = arith.constant 1 : i32
    %swap3A_173 = arith.index_cast %swap3A_172 : i32 to index
    %swap3A_174 = arith.constant 32 : index
    %swap3A_175 = tpu.vector_load %arg8[%swap3A_173, %swap3A_174] {strides = array<i32>} : memref<8x128xi32, #tpu.memory_space<vmem>>, vector<1x16xi32>,
    %swap3A_176 = vector.shape_cast %swap3A_175 : vector<1x16xi32> to vector<16xi32>
    %swap3A_177 = vector.shape_cast %add3A_171 : vector<16xi32> to vector<1x16xi32>
    tpu.vector_store %arg8[%swap3A_173, %swap3A_174], %swap3A_177 {strides = array<i32>} : memref<8x128xi32, #tpu.memory_space<vmem>>, vector<1x16xi32>,
    %add3A_178 = arith.constant 16 : i32
    %add3A_179 = vector.broadcast %add3A_178 : i32 to vector<16xi32>
    %add3A_180 = arith.addi %get3A_159, %add3A_179 : vector<16xi32>
    %swap3A_181 = arith.constant 2 : i32
    %swap3A_182 = arith.index_cast %swap3A_181 : i32 to index
    %swap3A_183 = arith.constant 32 : index
    %swap3A_184 = tpu.vector_load %arg8[%swap3A_182, %swap3A_183] {strides = array<i32>} : memref<8x128xi32, #tpu.memory_space<vmem>>, vector<1x16xi32>,
    %swap3A_185 = vector.shape_cast %swap3A_184 : vector<1x16xi32> to vector<16xi32>
    %swap3A_186 = vector.shape_cast %add3A_180 : vector<16xi32> to vector<1x16xi32>
    tpu.vector_store %arg8[%swap3A_182, %swap3A_183], %swap3A_186 {strides = array<i32>} : memref<8x128xi32, #tpu.memory_space<vmem>>, vector<1x16xi32>,
    %add3A_187 = arith.constant 24 : i32
    %add3A_188 = vector.broadcast %add3A_187 : i32 to vector<16xi32>
    %add3A_189 = arith.addi %get3A_159, %add3A_188 : vector<16xi32>
    %swap3A_190 = arith.constant 3 : i32
    %swap3A_191 = arith.index_cast %swap3A_190 : i32 to index
    %swap3A_192 = arith.constant 32 : index
    %swap3A_193 = tpu.vector_load %arg8[%swap3A_191, %swap3A_192] {strides = array<i32>} : memref<8x128xi32, #tpu.memory_space<vmem>>, vector<1x16xi32>,
    %swap3A_194 = vector.shape_cast %swap3A_193 : vector<1x16xi32> to vector<16xi32>
    %swap3A_195 = vector.shape_cast %add3A_189 : vector<16xi32> to vector<1x16xi32>
    tpu.vector_store %arg8[%swap3A_191, %swap3A_192], %swap3A_195 {strides = array<i32>} : memref<8x128xi32, #tpu.memory_space<vmem>>, vector<1x16xi32>,
    %add3A_196 = arith.constant 32 : i32
    %add3A_197 = vector.broadcast %add3A_196 : i32 to vector<16xi32>
    %add3A_198 = arith.addi %get3A_159, %add3A_197 : vector<16xi32>
    %swap3A_199 = arith.constant 4 : i32
    %swap3A_200 = arith.index_cast %swap3A_199 : i32 to index
    %swap3A_201 = arith.constant 32 : index
    %swap3A_202 = tpu.vector_load %arg8[%swap3A_200, %swap3A_201] {strides = array<i32>} : memref<8x128xi32, #tpu.memory_space<vmem>>, vector<1x16xi32>,
    %swap3A_203 = vector.shape_cast %swap3A_202 : vector<1x16xi32> to vector<16xi32>
    %swap3A_204 = vector.shape_cast %add3A_198 : vector<16xi32> to vector<1x16xi32>
    tpu.vector_store %arg8[%swap3A_200, %swap3A_201], %swap3A_204 {strides = array<i32>} : memref<8x128xi32, #tpu.memory_space<vmem>>, vector<1x16xi32>,
    %add3A_205 = arith.constant 40 : i32
    %add3A_206 = vector.broadcast %add3A_205 : i32 to vector<16xi32>
    %add3A_207 = arith.addi %get3A_159, %add3A_206 : vector<16xi32>
    %swap3A_208 = arith.constant 5 : i32
    %swap3A_209 = arith.index_cast %swap3A_208 : i32 to index
    %swap3A_210 = arith.constant 32 : index
    %swap3A_211 = tpu.vector_load %arg8[%swap3A_209, %swap3A_210] {strides = array<i32>} : memref<8x128xi32, #tpu.memory_space<vmem>>, vector<1x16xi32>,
    %swap3A_212 = vector.shape_cast %swap3A_211 : vector<1x16xi32> to vector<16xi32>
    %swap3A_213 = vector.shape_cast %add3A_207 : vector<16xi32> to vector<1x16xi32>
    tpu.vector_store %arg8[%swap3A_209, %swap3A_210], %swap3A_213 {strides = array<i32>} : memref<8x128xi32, #tpu.memory_space<vmem>>, vector<1x16xi32>,
    %add3A_214 = arith.constant 48 : i32
    %add3A_215 = vector.broadcast %add3A_214 : i32 to vector<16xi32>
    %add3A_216 = arith.addi %get3A_159, %add3A_215 : vector<16xi32>
    %swap3A_217 = arith.constant 6 : i32
    %swap3A_218 = arith.index_cast %swap3A_217 : i32 to index
    %swap3A_219 = arith.constant 32 : index
    %swap3A_220 = tpu.vector_load %arg8[%swap3A_218, %swap3A_219] {strides = array<i32>} : memref<8x128xi32, #tpu.memory_space<vmem>>, vector<1x16xi32>,
    %swap3A_221 = vector.shape_cast %swap3A_220 : vector<1x16xi32> to vector<16xi32>
    %swap3A_222 = vector.shape_cast %add3A_216 : vector<16xi32> to vector<1x16xi32>
    tpu.vector_store %arg8[%swap3A_218, %swap3A_219], %swap3A_222 {strides = array<i32>} : memref<8x128xi32, #tpu.memory_space<vmem>>, vector<1x16xi32>,
    %add3A_223 = arith.constant 56 : i32
    %add3A_224 = vector.broadcast %add3A_223 : i32 to vector<16xi32>
    %add3A_225 = arith.addi %get3A_159, %add3A_224 : vector<16xi32>
    %swap3A_226 = arith.constant 7 : i32
    %swap3A_227 = arith.index_cast %swap3A_226 : i32 to index
    %swap3A_228 = arith.constant 32 : index
    %swap3A_229 = tpu.vector_load %arg8[%swap3A_227, %swap3A_228] {strides = array<i32>} : memref<8x128xi32, #tpu.memory_space<vmem>>, vector<1x16xi32>,
    %swap3A_230 = vector.shape_cast %swap3A_229 : vector<1x16xi32> to vector<16xi32>
    %swap3A_231 = vector.shape_cast %add3A_225 : vector<16xi32> to vector<1x16xi32>
    tpu.vector_store %arg8[%swap3A_227, %swap3A_228], %swap3A_231 {strides = array<i32>} : memref<8x128xi32, #tpu.memory_space<vmem>>, vector<1x16xi32>,
    %dma_start3A = arith.constant 0 : i32
    %dma_start3A_232 = arith.constant 0 : i32
    %dma_start3A_233 = arith.constant 0 : i32
    %dma_start3A_234 = tpu.memref_slice %arg6[%dma_start3A_232, %dma_start3A_233] : memref<40x1000xf32, #tpu.memory_space<vmem>> -> memref<40x128xf32, #tpu.memory_space<vmem>>
    %dma_start3A_235 = arith.constant 0 : i32
    %dma_start3A_236 = tpu.memref_slice %arg8[%dma_start3A, %dma_start3A_235] : memref<8x128xi32, #tpu.memory_space<vmem>> -> memref<1x40xi32, #tpu.memory_space<vmem>>
    %dma_start3A_237 = tpu.memref_squeeze %dma_start3A_236 : memref<1x40xi32, #tpu.memory_space<vmem>> -> memref<40xi32, #tpu.memory_space<vmem>>
    %dma_start3A_238 = arith.constant 0 : i32
    %dma_start3A_239 = arith.constant 0 : i32
    %dma_start3A_240 = tpu.memref_slice %arg3[%dma_start3A_238, %dma_start3A_239] : memref<8000x128xf32, #tpu.memory_space<hbm>> -> memref<8000x128xf32, #tpu.memory_space<hbm>>
    tpu.enqueue_indirect_dma source(%dma_start3A_240 : memref<8000x128xf32, #tpu.memory_space<hbm>>) target(%dma_start3A_234 : memref<40x128xf32, #tpu.memory_space<vmem>>) offsets(%dma_start3A_237 : memref<40xi32, #tpu.memory_space<vmem>>) semaphore(%arg10 : memref<!tpu.dma_semaphore, #tpu.memory_space<semaphore_mem>>)
    %dma_start3A_241 = arith.constant 1 : i32
    %dma_start3A_242 = arith.constant 0 : i32
    %dma_start3A_243 = arith.constant 128 : i32
    %dma_start3A_244 = tpu.memref_slice %arg6[%dma_start3A_242, %dma_start3A_243] : memref<40x1000xf32, #tpu.memory_space<vmem>> -> memref<40x128xf32, #tpu.memory_space<vmem>>
    %dma_start3A_245 = arith.constant 0 : i32
    %dma_start3A_246 = tpu.memref_slice %arg8[%dma_start3A_241, %dma_start3A_245] : memref<8x128xi32, #tpu.memory_space<vmem>> -> memref<1x40xi32, #tpu.memory_space<vmem>>
    %dma_start3A_247 = tpu.memref_squeeze %dma_start3A_246 : memref<1x40xi32, #tpu.memory_space<vmem>> -> memref<40xi32, #tpu.memory_space<vmem>>
    %dma_start3A_248 = arith.constant 0 : i32
    %dma_start3A_249 = arith.constant 0 : i32
    %dma_start3A_250 = tpu.memref_slice %arg3[%dma_start3A_248, %dma_start3A_249] : memref<8000x128xf32, #tpu.memory_space<hbm>> -> memref<8000x128xf32, #tpu.memory_space<hbm>>
    tpu.enqueue_indirect_dma source(%dma_start3A_250 : memref<8000x128xf32, #tpu.memory_space<hbm>>) target(%dma_start3A_244 : memref<40x128xf32, #tpu.memory_space<vmem>>) offsets(%dma_start3A_247 : memref<40xi32, #tpu.memory_space<vmem>>) semaphore(%arg10 : memref<!tpu.dma_semaphore, #tpu.memory_space<semaphore_mem>>)
    %dma_start3A_251 = arith.constant 2 : i32
    %dma_start3A_252 = arith.constant 0 : i32
    %dma_start3A_253 = arith.constant 256 : i32
    %dma_start3A_254 = tpu.memref_slice %arg6[%dma_start3A_252, %dma_start3A_253] : memref<40x1000xf32, #tpu.memory_space<vmem>> -> memref<40x128xf32, #tpu.memory_space<vmem>>
    %dma_start3A_255 = arith.constant 0 : i32
    %dma_start3A_256 = tpu.memref_slice %arg8[%dma_start3A_251, %dma_start3A_255] : memref<8x128xi32, #tpu.memory_space<vmem>> -> memref<1x40xi32, #tpu.memory_space<vmem>>
    %dma_start3A_257 = tpu.memref_squeeze %dma_start3A_256 : memref<1x40xi32, #tpu.memory_space<vmem>> -> memref<40xi32, #tpu.memory_space<vmem>>
    %dma_start3A_258 = arith.constant 0 : i32
    %dma_start3A_259 = arith.constant 0 : i32
    %dma_start3A_260 = tpu.memref_slice %arg3[%dma_start3A_258, %dma_start3A_259] : memref<8000x128xf32, #tpu.memory_space<hbm>> -> memref<8000x128xf32, #tpu.memory_space<hbm>>
    tpu.enqueue_indirect_dma source(%dma_start3A_260 : memref<8000x128xf32, #tpu.memory_space<hbm>>) target(%dma_start3A_254 : memref<40x128xf32, #tpu.memory_space<vmem>>) offsets(%dma_start3A_257 : memref<40xi32, #tpu.memory_space<vmem>>) semaphore(%arg10 : memref<!tpu.dma_semaphore, #tpu.memory_space<semaphore_mem>>)
    %dma_start3A_261 = arith.constant 3 : i32
    %dma_start3A_262 = arith.constant 0 : i32
    %dma_start3A_263 = arith.constant 384 : i32
    %dma_start3A_264 = tpu.memref_slice %arg6[%dma_start3A_262, %dma_start3A_263] : memref<40x1000xf32, #tpu.memory_space<vmem>> -> memref<40x128xf32, #tpu.memory_space<vmem>>
    %dma_start3A_265 = arith.constant 0 : i32
    %dma_start3A_266 = tpu.memref_slice %arg8[%dma_start3A_261, %dma_start3A_265] : memref<8x128xi32, #tpu.memory_space<vmem>> -> memref<1x40xi32, #tpu.memory_space<vmem>>
    %dma_start3A_267 = tpu.memref_squeeze %dma_start3A_266 : memref<1x40xi32, #tpu.memory_space<vmem>> -> memref<40xi32, #tpu.memory_space<vmem>>
    %dma_start3A_268 = arith.constant 0 : i32
    %dma_start3A_269 = arith.constant 0 : i32
    %dma_start3A_270 = tpu.memref_slice %arg3[%dma_start3A_268, %dma_start3A_269] : memref<8000x128xf32, #tpu.memory_space<hbm>> -> memref<8000x128xf32, #tpu.memory_space<hbm>>
    tpu.enqueue_indirect_dma source(%dma_start3A_270 : memref<8000x128xf32, #tpu.memory_space<hbm>>) target(%dma_start3A_264 : memref<40x128xf32, #tpu.memory_space<vmem>>) offsets(%dma_start3A_267 : memref<40xi32, #tpu.memory_space<vmem>>) semaphore(%arg10 : memref<!tpu.dma_semaphore, #tpu.memory_space<semaphore_mem>>)
    %dma_start3A_271 = arith.constant 4 : i32
    %dma_start3A_272 = arith.constant 0 : i32
    %dma_start3A_273 = arith.constant 512 : i32
    %dma_start3A_274 = tpu.memref_slice %arg6[%dma_start3A_272, %dma_start3A_273] : memref<40x1000xf32, #tpu.memory_space<vmem>> -> memref<40x128xf32, #tpu.memory_space<vmem>>
    %dma_start3A_275 = arith.constant 0 : i32
    %dma_start3A_276 = tpu.memref_slice %arg8[%dma_start3A_271, %dma_start3A_275] : memref<8x128xi32, #tpu.memory_space<vmem>> -> memref<1x40xi32, #tpu.memory_space<vmem>>
    %dma_start3A_277 = tpu.memref_squeeze %dma_start3A_276 : memref<1x40xi32, #tpu.memory_space<vmem>> -> memref<40xi32, #tpu.memory_space<vmem>>
    %dma_start3A_278 = arith.constant 0 : i32
    %dma_start3A_279 = arith.constant 0 : i32
    %dma_start3A_280 = tpu.memref_slice %arg3[%dma_start3A_278, %dma_start3A_279] : memref<8000x128xf32, #tpu.memory_space<hbm>> -> memref<8000x128xf32, #tpu.memory_space<hbm>>
    tpu.enqueue_indirect_dma source(%dma_start3A_280 : memref<8000x128xf32, #tpu.memory_space<hbm>>) target(%dma_start3A_274 : memref<40x128xf32, #tpu.memory_space<vmem>>) offsets(%dma_start3A_277 : memref<40xi32, #tpu.memory_space<vmem>>) semaphore(%arg10 : memref<!tpu.dma_semaphore, #tpu.memory_space<semaphore_mem>>)
    %dma_start3A_281 = arith.constant 5 : i32
    %dma_start3A_282 = arith.constant 0 : i32
    %dma_start3A_283 = arith.constant 640 : i32
    %dma_start3A_284 = tpu.memref_slice %arg6[%dma_start3A_282, %dma_start3A_283] : memref<40x1000xf32, #tpu.memory_space<vmem>> -> memref<40x128xf32, #tpu.memory_space<vmem>>
    %dma_start3A_285 = arith.constant 0 : i32
    %dma_start3A_286 = tpu.memref_slice %arg8[%dma_start3A_281, %dma_start3A_285] : memref<8x128xi32, #tpu.memory_space<vmem>> -> memref<1x40xi32, #tpu.memory_space<vmem>>
    %dma_start3A_287 = tpu.memref_squeeze %dma_start3A_286 : memref<1x40xi32, #tpu.memory_space<vmem>> -> memref<40xi32, #tpu.memory_space<vmem>>
    %dma_start3A_288 = arith.constant 0 : i32
    %dma_start3A_289 = arith.constant 0 : i32
    %dma_start3A_290 = tpu.memref_slice %arg3[%dma_start3A_288, %dma_start3A_289] : memref<8000x128xf32, #tpu.memory_space<hbm>> -> memref<8000x128xf32, #tpu.memory_space<hbm>>
    tpu.enqueue_indirect_dma source(%dma_start3A_290 : memref<8000x128xf32, #tpu.memory_space<hbm>>) target(%dma_start3A_284 : memref<40x128xf32, #tpu.memory_space<vmem>>) offsets(%dma_start3A_287 : memref<40xi32, #tpu.memory_space<vmem>>) semaphore(%arg10 : memref<!tpu.dma_semaphore, #tpu.memory_space<semaphore_mem>>)
    %dma_start3A_291 = arith.constant 6 : i32
    %dma_start3A_292 = arith.constant 0 : i32
    %dma_start3A_293 = arith.constant 768 : i32
    %dma_start3A_294 = tpu.memref_slice %arg6[%dma_start3A_292, %dma_start3A_293] : memref<40x1000xf32, #tpu.memory_space<vmem>> -> memref<40x128xf32, #tpu.memory_space<vmem>>
    %dma_start3A_295 = arith.constant 0 : i32
    %dma_start3A_296 = tpu.memref_slice %arg8[%dma_start3A_291, %dma_start3A_295] : memref<8x128xi32, #tpu.memory_space<vmem>> -> memref<1x40xi32, #tpu.memory_space<vmem>>
    %dma_start3A_297 = tpu.memref_squeeze %dma_start3A_296 : memref<1x40xi32, #tpu.memory_space<vmem>> -> memref<40xi32, #tpu.memory_space<vmem>>
    %dma_start3A_298 = arith.constant 0 : i32
    %dma_start3A_299 = arith.constant 0 : i32
    %dma_start3A_300 = tpu.memref_slice %arg3[%dma_start3A_298, %dma_start3A_299] : memref<8000x128xf32, #tpu.memory_space<hbm>> -> memref<8000x128xf32, #tpu.memory_space<hbm>>
    tpu.enqueue_indirect_dma source(%dma_start3A_300 : memref<8000x128xf32, #tpu.memory_space<hbm>>) target(%dma_start3A_294 : memref<40x128xf32, #tpu.memory_space<vmem>>) offsets(%dma_start3A_297 : memref<40xi32, #tpu.memory_space<vmem>>) semaphore(%arg10 : memref<!tpu.dma_semaphore, #tpu.memory_space<semaphore_mem>>)
    %mul3A_301 = arith.constant 0 : i32
    %mul3A_302 = arith.muli %add3A, %mul3A_301 : i32
    %add3A_303 = arith.constant 896 : i32
    %add3A_304 = arith.addi %add3A_303, %mul3A_302 : i32
    %multiple_of3A = tpu.assume_multiple %add3A_304, 128 : i32
    %dma_start3A_305 = arith.constant 7 : i32
    %dma_start3A_306 = arith.constant 0 : i32
    %dma_start3A_307 = tpu.memref_slice %arg6[%dma_start3A_306, %multiple_of3A] : memref<40x1000xf32, #tpu.memory_space<vmem>> -> memref<40x128xf32, #tpu.memory_space<vmem>>
    %dma_start3A_308 = arith.constant 0 : i32
    %dma_start3A_309 = tpu.memref_slice %arg8[%dma_start3A_305, %dma_start3A_308] : memref<8x128xi32, #tpu.memory_space<vmem>> -> memref<1x40xi32, #tpu.memory_space<vmem>>
    %dma_start3A_310 = tpu.memref_squeeze %dma_start3A_309 : memref<1x40xi32, #tpu.memory_space<vmem>> -> memref<40xi32, #tpu.memory_space<vmem>>
    %dma_start3A_311 = arith.constant 0 : i32
    %dma_start3A_312 = arith.constant 0 : i32
    %dma_start3A_313 = tpu.memref_slice %arg3[%dma_start3A_311, %dma_start3A_312] : memref<8000x128xf32, #tpu.memory_space<hbm>> -> memref<8000x128xf32, #tpu.memory_space<hbm>>
    tpu.enqueue_indirect_dma source(%dma_start3A_313 : memref<8000x128xf32, #tpu.memory_space<hbm>>) target(%dma_start3A_307 : memref<40x128xf32, #tpu.memory_space<vmem>>) offsets(%dma_start3A_310 : memref<40xi32, #tpu.memory_space<vmem>>) semaphore(%arg10 : memref<!tpu.dma_semaphore, #tpu.memory_space<semaphore_mem>>)
    %scan3A_314 = arith.constant 0 : i32
    %scan3A_315 = arith.constant 80 : i32
    %scan3A_316 = arith.addi %scan3A_314, %scan3A_315 : i32
    %scan3A_317 = arith.constant 1 : i32
    scf.for %scan3A_319 = %scan3A_314 to %scan3A_316 step %scan3A_317  : i32 {
      %mul3A_320 = arith.constant 2 : i32
      %mul3A_321 = arith.muli %scan3A_319, %mul3A_320 : i32
      %add3A_322 = arith.constant 0 : i32
      %add3A_323 = arith.addi %add3A_322, %mul3A_321 : i32
      %add3A_324 = arith.constant 1 : i32
      %add3A_325 = arith.addi %add3A_323, %add3A_324 : i32
      %mul3A_326 = arith.constant 40 : i32
      %mul3A_327 = arith.muli %add3A_325, %mul3A_326 : i32
      %add3A_328 = arith.constant 0 : i32
      %add3A_329 = arith.addi %mul3A_327, %add3A_328 : i32
      %get3A_330 = arith.index_cast %add3A_329 : i32 to index
      %get3A_331 = tpu.vector_load %arg5[%get3A_330] {strides = array<i32>} : memref<6416xi32, #tpu.memory_space<vmem>>, vector<16xi32>,
      %get3A_332 = vector.shape_cast %get3A_331 : vector<16xi32> to vector<16xi32>
      %add3A_333 = arith.constant 0 : i32
      %add3A_334 = vector.broadcast %add3A_333 : i32 to vector<16xi32>
      %add3A_335 = arith.addi %get3A_332, %add3A_334 : vector<16xi32>
      %swap3A_336 = arith.constant 0 : i32
      %swap3A_337 = arith.index_cast %swap3A_336 : i32 to index
      %swap3A_338 = arith.constant 0 : index
      %swap3A_339 = tpu.vector_load %arg9[%swap3A_337, %swap3A_338] {strides = array<i32>} : memref<8x128xi32, #tpu.memory_space<vmem>>, vector<1x16xi32>,
      %swap3A_340 = vector.shape_cast %swap3A_339 : vector<1x16xi32> to vector<16xi32>
      %swap3A_341 = vector.shape_cast %add3A_335 : vector<16xi32> to vector<1x16xi32>
      tpu.vector_store %arg9[%swap3A_337, %swap3A_338], %swap3A_341 {strides = array<i32>} : memref<8x128xi32, #tpu.memory_space<vmem>>, vector<1x16xi32>,
      %add3A_342 = arith.constant 8 : i32
      %add3A_343 = vector.broadcast %add3A_342 : i32 to vector<16xi32>
      %add3A_344 = arith.addi %get3A_332, %add3A_343 : vector<16xi32>
      %swap3A_345 = arith.constant 1 : i32
      %swap3A_346 = arith.index_cast %swap3A_345 : i32 to index
      %swap3A_347 = arith.constant 0 : index
      %swap3A_348 = tpu.vector_load %arg9[%swap3A_346, %swap3A_347] {strides = array<i32>} : memref<8x128xi32, #tpu.memory_space<vmem>>, vector<1x16xi32>,
      %swap3A_349 = vector.shape_cast %swap3A_348 : vector<1x16xi32> to vector<16xi32>
      %swap3A_350 = vector.shape_cast %add3A_344 : vector<16xi32> to vector<1x16xi32>
      tpu.vector_store %arg9[%swap3A_346, %swap3A_347], %swap3A_350 {strides = array<i32>} : memref<8x128xi32, #tpu.memory_space<vmem>>, vector<1x16xi32>,
      %add3A_351 = arith.constant 16 : i32
      %add3A_352 = vector.broadcast %add3A_351 : i32 to vector<16xi32>
      %add3A_353 = arith.addi %get3A_332, %add3A_352 : vector<16xi32>
      %swap3A_354 = arith.constant 2 : i32
      %swap3A_355 = arith.index_cast %swap3A_354 : i32 to index
      %swap3A_356 = arith.constant 0 : index
      %swap3A_357 = tpu.vector_load %arg9[%swap3A_355, %swap3A_356] {strides = array<i32>} : memref<8x128xi32, #tpu.memory_space<vmem>>, vector<1x16xi32>,
      %swap3A_358 = vector.shape_cast %swap3A_357 : vector<1x16xi32> to vector<16xi32>
      %swap3A_359 = vector.shape_cast %add3A_353 : vector<16xi32> to vector<1x16xi32>
      tpu.vector_store %arg9[%swap3A_355, %swap3A_356], %swap3A_359 {strides = array<i32>} : memref<8x128xi32, #tpu.memory_space<vmem>>, vector<1x16xi32>,
      %add3A_360 = arith.constant 24 : i32
      %add3A_361 = vector.broadcast %add3A_360 : i32 to vector<16xi32>
      %add3A_362 = arith.addi %get3A_332, %add3A_361 : vector<16xi32>
      %swap3A_363 = arith.constant 3 : i32
      %swap3A_364 = arith.index_cast %swap3A_363 : i32 to index
      %swap3A_365 = arith.constant 0 : index
      %swap3A_366 = tpu.vector_load %arg9[%swap3A_364, %swap3A_365] {strides = array<i32>} : memref<8x128xi32, #tpu.memory_space<vmem>>, vector<1x16xi32>,
      %swap3A_367 = vector.shape_cast %swap3A_366 : vector<1x16xi32> to vector<16xi32>
      %swap3A_368 = vector.shape_cast %add3A_362 : vector<16xi32> to vector<1x16xi32>
      tpu.vector_store %arg9[%swap3A_364, %swap3A_365], %swap3A_368 {strides = array<i32>} : memref<8x128xi32, #tpu.memory_space<vmem>>, vector<1x16xi32>,
      %add3A_369 = arith.constant 32 : i32
      %add3A_370 = vector.broadcast %add3A_369 : i32 to vector<16xi32>
      %add3A_371 = arith.addi %get3A_332, %add3A_370 : vector<16xi32>
      %swap3A_372 = arith.constant 4 : i32
      %swap3A_373 = arith.index_cast %swap3A_372 : i32 to index
      %swap3A_374 = arith.constant 0 : index
      %swap3A_375 = tpu.vector_load %arg9[%swap3A_373, %swap3A_374] {strides = array<i32>} : memref<8x128xi32, #tpu.memory_space<vmem>>, vector<1x16xi32>,
      %swap3A_376 = vector.shape_cast %swap3A_375 : vector<1x16xi32> to vector<16xi32>
      %swap3A_377 = vector.shape_cast %add3A_371 : vector<16xi32> to vector<1x16xi32>
      tpu.vector_store %arg9[%swap3A_373, %swap3A_374], %swap3A_377 {strides = array<i32>} : memref<8x128xi32, #tpu.memory_space<vmem>>, vector<1x16xi32>,
      %add3A_378 = arith.constant 40 : i32
      %add3A_379 = vector.broadcast %add3A_378 : i32 to vector<16xi32>
      %add3A_380 = arith.addi %get3A_332, %add3A_379 : vector<16xi32>
      %swap3A_381 = arith.constant 5 : i32
      %swap3A_382 = arith.index_cast %swap3A_381 : i32 to index
      %swap3A_383 = arith.constant 0 : index
      %swap3A_384 = tpu.vector_load %arg9[%swap3A_382, %swap3A_383] {strides = array<i32>} : memref<8x128xi32, #tpu.memory_space<vmem>>, vector<1x16xi32>,
      %swap3A_385 = vector.shape_cast %swap3A_384 : vector<1x16xi32> to vector<16xi32>
      %swap3A_386 = vector.shape_cast %add3A_380 : vector<16xi32> to vector<1x16xi32>
      tpu.vector_store %arg9[%swap3A_382, %swap3A_383], %swap3A_386 {strides = array<i32>} : memref<8x128xi32, #tpu.memory_space<vmem>>, vector<1x16xi32>,
      %add3A_387 = arith.constant 48 : i32
      %add3A_388 = vector.broadcast %add3A_387 : i32 to vector<16xi32>
      %add3A_389 = arith.addi %get3A_332, %add3A_388 : vector<16xi32>
      %swap3A_390 = arith.constant 6 : i32
      %swap3A_391 = arith.index_cast %swap3A_390 : i32 to index
      %swap3A_392 = arith.constant 0 : index
      %swap3A_393 = tpu.vector_load %arg9[%swap3A_391, %swap3A_392] {strides = array<i32>} : memref<8x128xi32, #tpu.memory_space<vmem>>, vector<1x16xi32>,
      %swap3A_394 = vector.shape_cast %swap3A_393 : vector<1x16xi32> to vector<16xi32>
      %swap3A_395 = vector.shape_cast %add3A_389 : vector<16xi32> to vector<1x16xi32>
      tpu.vector_store %arg9[%swap3A_391, %swap3A_392], %swap3A_395 {strides = array<i32>} : memref<8x128xi32, #tpu.memory_space<vmem>>, vector<1x16xi32>,
      %add3A_396 = arith.constant 56 : i32
      %add3A_397 = vector.broadcast %add3A_396 : i32 to vector<16xi32>
      %add3A_398 = arith.addi %get3A_332, %add3A_397 : vector<16xi32>
      %swap3A_399 = arith.constant 7 : i32
      %swap3A_400 = arith.index_cast %swap3A_399 : i32 to index
      %swap3A_401 = arith.constant 0 : index
      %swap3A_402 = tpu.vector_load %arg9[%swap3A_400, %swap3A_401] {strides = array<i32>} : memref<8x128xi32, #tpu.memory_space<vmem>>, vector<1x16xi32>,
      %swap3A_403 = vector.shape_cast %swap3A_402 : vector<1x16xi32> to vector<16xi32>
      %swap3A_404 = vector.shape_cast %add3A_398 : vector<16xi32> to vector<1x16xi32>
      tpu.vector_store %arg9[%swap3A_400, %swap3A_401], %swap3A_404 {strides = array<i32>} : memref<8x128xi32, #tpu.memory_space<vmem>>, vector<1x16xi32>,
      %mul3A_405 = arith.constant 40 : i32
      %mul3A_406 = arith.muli %add3A_325, %mul3A_405 : i32
      %add3A_407 = arith.constant 16 : i32
      %add3A_408 = arith.addi %mul3A_406, %add3A_407 : i32
      %get3A_409 = arith.index_cast %add3A_408 : i32 to index
      %get3A_410 = tpu.vector_load %arg5[%get3A_409] {strides = array<i32>} : memref<6416xi32, #tpu.memory_space<vmem>>, vector<16xi32>,
      %get3A_411 = vector.shape_cast %get3A_410 : vector<16xi32> to vector<16xi32>
      %add3A_412 = arith.constant 0 : i32
      %add3A_413 = vector.broadcast %add3A_412 : i32 to vector<16xi32>
      %add3A_414 = arith.addi %get3A_411, %add3A_413 : vector<16xi32>
      %swap3A_415 = arith.constant 0 : i32
      %swap3A_416 = arith.index_cast %swap3A_415 : i32 to index
      %swap3A_417 = arith.constant 16 : index
      %swap3A_418 = tpu.vector_load %arg9[%swap3A_416, %swap3A_417] {strides = array<i32>} : memref<8x128xi32, #tpu.memory_space<vmem>>, vector<1x16xi32>,
      %swap3A_419 = vector.shape_cast %swap3A_418 : vector<1x16xi32> to vector<16xi32>
      %swap3A_420 = vector.shape_cast %add3A_414 : vector<16xi32> to vector<1x16xi32>
      tpu.vector_store %arg9[%swap3A_416, %swap3A_417], %swap3A_420 {strides = array<i32>} : memref<8x128xi32, #tpu.memory_space<vmem>>, vector<1x16xi32>,
      %add3A_421 = arith.constant 8 : i32
      %add3A_422 = vector.broadcast %add3A_421 : i32 to vector<16xi32>
      %add3A_423 = arith.addi %get3A_411, %add3A_422 : vector<16xi32>
      %swap3A_424 = arith.constant 1 : i32
      %swap3A_425 = arith.index_cast %swap3A_424 : i32 to index
      %swap3A_426 = arith.constant 16 : index
      %swap3A_427 = tpu.vector_load %arg9[%swap3A_425, %swap3A_426] {strides = array<i32>} : memref<8x128xi32, #tpu.memory_space<vmem>>, vector<1x16xi32>,
      %swap3A_428 = vector.shape_cast %swap3A_427 : vector<1x16xi32> to vector<16xi32>
      %swap3A_429 = vector.shape_cast %add3A_423 : vector<16xi32> to vector<1x16xi32>
      tpu.vector_store %arg9[%swap3A_425, %swap3A_426], %swap3A_429 {strides = array<i32>} : memref<8x128xi32, #tpu.memory_space<vmem>>, vector<1x16xi32>,
      %add3A_430 = arith.constant 16 : i32
      %add3A_431 = vector.broadcast %add3A_430 : i32 to vector<16xi32>
      %add3A_432 = arith.addi %get3A_411, %add3A_431 : vector<16xi32>
      %swap3A_433 = arith.constant 2 : i32
      %swap3A_434 = arith.index_cast %swap3A_433 : i32 to index
      %swap3A_435 = arith.constant 16 : index
      %swap3A_436 = tpu.vector_load %arg9[%swap3A_434, %swap3A_435] {strides = array<i32>} : memref<8x128xi32, #tpu.memory_space<vmem>>, vector<1x16xi32>,
      %swap3A_437 = vector.shape_cast %swap3A_436 : vector<1x16xi32> to vector<16xi32>
      %swap3A_438 = vector.shape_cast %add3A_432 : vector<16xi32> to vector<1x16xi32>
      tpu.vector_store %arg9[%swap3A_434, %swap3A_435], %swap3A_438 {strides = array<i32>} : memref<8x128xi32, #tpu.memory_space<vmem>>, vector<1x16xi32>,
      %add3A_439 = arith.constant 24 : i32
      %add3A_440 = vector.broadcast %add3A_439 : i32 to vector<16xi32>
      %add3A_441 = arith.addi %get3A_411, %add3A_440 : vector<16xi32>
      %swap3A_442 = arith.constant 3 : i32
      %swap3A_443 = arith.index_cast %swap3A_442 : i32 to index
      %swap3A_444 = arith.constant 16 : index
      %swap3A_445 = tpu.vector_load %arg9[%swap3A_443, %swap3A_444] {strides = array<i32>} : memref<8x128xi32, #tpu.memory_space<vmem>>, vector<1x16xi32>,
      %swap3A_446 = vector.shape_cast %swap3A_445 : vector<1x16xi32> to vector<16xi32>
      %swap3A_447 = vector.shape_cast %add3A_441 : vector<16xi32> to vector<1x16xi32>
      tpu.vector_store %arg9[%swap3A_443, %swap3A_444], %swap3A_447 {strides = array<i32>} : memref<8x128xi32, #tpu.memory_space<vmem>>, vector<1x16xi32>,
      %add3A_448 = arith.constant 32 : i32
      %add3A_449 = vector.broadcast %add3A_448 : i32 to vector<16xi32>
      %add3A_450 = arith.addi %get3A_411, %add3A_449 : vector<16xi32>
      %swap3A_451 = arith.constant 4 : i32
      %swap3A_452 = arith.index_cast %swap3A_451 : i32 to index
      %swap3A_453 = arith.constant 16 : index
      %swap3A_454 = tpu.vector_load %arg9[%swap3A_452, %swap3A_453] {strides = array<i32>} : memref<8x128xi32, #tpu.memory_space<vmem>>, vector<1x16xi32>,
      %swap3A_455 = vector.shape_cast %swap3A_454 : vector<1x16xi32> to vector<16xi32>
      %swap3A_456 = vector.shape_cast %add3A_450 : vector<16xi32> to vector<1x16xi32>
      tpu.vector_store %arg9[%swap3A_452, %swap3A_453], %swap3A_456 {strides = array<i32>} : memref<8x128xi32, #tpu.memory_space<vmem>>, vector<1x16xi32>,
      %add3A_457 = arith.constant 40 : i32
      %add3A_458 = vector.broadcast %add3A_457 : i32 to vector<16xi32>
      %add3A_459 = arith.addi %get3A_411, %add3A_458 : vector<16xi32>
      %swap3A_460 = arith.constant 5 : i32
      %swap3A_461 = arith.index_cast %swap3A_460 : i32 to index
      %swap3A_462 = arith.constant 16 : index
      %swap3A_463 = tpu.vector_load %arg9[%swap3A_461, %swap3A_462] {strides = array<i32>} : memref<8x128xi32, #tpu.memory_space<vmem>>, vector<1x16xi32>,
      %swap3A_464 = vector.shape_cast %swap3A_463 : vector<1x16xi32> to vector<16xi32>
      %swap3A_465 = vector.shape_cast %add3A_459 : vector<16xi32> to vector<1x16xi32>
      tpu.vector_store %arg9[%swap3A_461, %swap3A_462], %swap3A_465 {strides = array<i32>} : memref<8x128xi32, #tpu.memory_space<vmem>>, vector<1x16xi32>,
      %add3A_466 = arith.constant 48 : i32
      %add3A_467 = vector.broadcast %add3A_466 : i32 to vector<16xi32>
      %add3A_468 = arith.addi %get3A_411, %add3A_467 : vector<16xi32>
      %swap3A_469 = arith.constant 6 : i32
      %swap3A_470 = arith.index_cast %swap3A_469 : i32 to index
      %swap3A_471 = arith.constant 16 : index
      %swap3A_472 = tpu.vector_load %arg9[%swap3A_470, %swap3A_471] {strides = array<i32>} : memref<8x128xi32, #tpu.memory_space<vmem>>, vector<1x16xi32>,
      %swap3A_473 = vector.shape_cast %swap3A_472 : vector<1x16xi32> to vector<16xi32>
      %swap3A_474 = vector.shape_cast %add3A_468 : vector<16xi32> to vector<1x16xi32>
      tpu.vector_store %arg9[%swap3A_470, %swap3A_471], %swap3A_474 {strides = array<i32>} : memref<8x128xi32, #tpu.memory_space<vmem>>, vector<1x16xi32>,
      %add3A_475 = arith.constant 56 : i32
      %add3A_476 = vector.broadcast %add3A_475 : i32 to vector<16xi32>
      %add3A_477 = arith.addi %get3A_411, %add3A_476 : vector<16xi32>
      %swap3A_478 = arith.constant 7 : i32
      %swap3A_479 = arith.index_cast %swap3A_478 : i32 to index
      %swap3A_480 = arith.constant 16 : index
      %swap3A_481 = tpu.vector_load %arg9[%swap3A_479, %swap3A_480] {strides = array<i32>} : memref<8x128xi32, #tpu.memory_space<vmem>>, vector<1x16xi32>,
      %swap3A_482 = vector.shape_cast %swap3A_481 : vector<1x16xi32> to vector<16xi32>
      %swap3A_483 = vector.shape_cast %add3A_477 : vector<16xi32> to vector<1x16xi32>
      tpu.vector_store %arg9[%swap3A_479, %swap3A_480], %swap3A_483 {strides = array<i32>} : memref<8x128xi32, #tpu.memory_space<vmem>>, vector<1x16xi32>,
      %mul3A_484 = arith.constant 40 : i32
      %mul3A_485 = arith.muli %add3A_325, %mul3A_484 : i32
      %add3A_486 = arith.constant 32 : i32
      %add3A_487 = arith.addi %mul3A_485, %add3A_486 : i32
      %get3A_488 = arith.index_cast %add3A_487 : i32 to index
      %get3A_489 = tpu.vector_load %arg5[%get3A_488] {strides = array<i32>} : memref<6416xi32, #tpu.memory_space<vmem>>, vector<16xi32>,
      %get3A_490 = vector.shape_cast %get3A_489 : vector<16xi32> to vector<16xi32>
      %add3A_491 = arith.constant 0 : i32
      %add3A_492 = vector.broadcast %add3A_491 : i32 to vector<16xi32>
      %add3A_493 = arith.addi %get3A_490, %add3A_492 : vector<16xi32>
      %swap3A_494 = arith.constant 0 : i32
      %swap3A_495 = arith.index_cast %swap3A_494 : i32 to index
      %swap3A_496 = arith.constant 32 : index
      %swap3A_497 = tpu.vector_load %arg9[%swap3A_495, %swap3A_496] {strides = array<i32>} : memref<8x128xi32, #tpu.memory_space<vmem>>, vector<1x16xi32>,
      %swap3A_498 = vector.shape_cast %swap3A_497 : vector<1x16xi32> to vector<16xi32>
      %swap3A_499 = vector.shape_cast %add3A_493 : vector<16xi32> to vector<1x16xi32>
      tpu.vector_store %arg9[%swap3A_495, %swap3A_496], %swap3A_499 {strides = array<i32>} : memref<8x128xi32, #tpu.memory_space<vmem>>, vector<1x16xi32>,
      %add3A_500 = arith.constant 8 : i32
      %add3A_501 = vector.broadcast %add3A_500 : i32 to vector<16xi32>
      %add3A_502 = arith.addi %get3A_490, %add3A_501 : vector<16xi32>
      %swap3A_503 = arith.constant 1 : i32
      %swap3A_504 = arith.index_cast %swap3A_503 : i32 to index
      %swap3A_505 = arith.constant 32 : index
      %swap3A_506 = tpu.vector_load %arg9[%swap3A_504, %swap3A_505] {strides = array<i32>} : memref<8x128xi32, #tpu.memory_space<vmem>>, vector<1x16xi32>,
      %swap3A_507 = vector.shape_cast %swap3A_506 : vector<1x16xi32> to vector<16xi32>
      %swap3A_508 = vector.shape_cast %add3A_502 : vector<16xi32> to vector<1x16xi32>
      tpu.vector_store %arg9[%swap3A_504, %swap3A_505], %swap3A_508 {strides = array<i32>} : memref<8x128xi32, #tpu.memory_space<vmem>>, vector<1x16xi32>,
      %add3A_509 = arith.constant 16 : i32
      %add3A_510 = vector.broadcast %add3A_509 : i32 to vector<16xi32>
      %add3A_511 = arith.addi %get3A_490, %add3A_510 : vector<16xi32>
      %swap3A_512 = arith.constant 2 : i32
      %swap3A_513 = arith.index_cast %swap3A_512 : i32 to index
      %swap3A_514 = arith.constant 32 : index
      %swap3A_515 = tpu.vector_load %arg9[%swap3A_513, %swap3A_514] {strides = array<i32>} : memref<8x128xi32, #tpu.memory_space<vmem>>, vector<1x16xi32>,
      %swap3A_516 = vector.shape_cast %swap3A_515 : vector<1x16xi32> to vector<16xi32>
      %swap3A_517 = vector.shape_cast %add3A_511 : vector<16xi32> to vector<1x16xi32>
      tpu.vector_store %arg9[%swap3A_513, %swap3A_514], %swap3A_517 {strides = array<i32>} : memref<8x128xi32, #tpu.memory_space<vmem>>, vector<1x16xi32>,
      %add3A_518 = arith.constant 24 : i32
      %add3A_519 = vector.broadcast %add3A_518 : i32 to vector<16xi32>
      %add3A_520 = arith.addi %get3A_490, %add3A_519 : vector<16xi32>
      %swap3A_521 = arith.constant 3 : i32
      %swap3A_522 = arith.index_cast %swap3A_521 : i32 to index
      %swap3A_523 = arith.constant 32 : index
      %swap3A_524 = tpu.vector_load %arg9[%swap3A_522, %swap3A_523] {strides = array<i32>} : memref<8x128xi32, #tpu.memory_space<vmem>>, vector<1x16xi32>,
      %swap3A_525 = vector.shape_cast %swap3A_524 : vector<1x16xi32> to vector<16xi32>
      %swap3A_526 = vector.shape_cast %add3A_520 : vector<16xi32> to vector<1x16xi32>
      tpu.vector_store %arg9[%swap3A_522, %swap3A_523], %swap3A_526 {strides = array<i32>} : memref<8x128xi32, #tpu.memory_space<vmem>>, vector<1x16xi32>,
      %add3A_527 = arith.constant 32 : i32
      %add3A_528 = vector.broadcast %add3A_527 : i32 to vector<16xi32>
      %add3A_529 = arith.addi %get3A_490, %add3A_528 : vector<16xi32>
      %swap3A_530 = arith.constant 4 : i32
      %swap3A_531 = arith.index_cast %swap3A_530 : i32 to index
      %swap3A_532 = arith.constant 32 : index
      %swap3A_533 = tpu.vector_load %arg9[%swap3A_531, %swap3A_532] {strides = array<i32>} : memref<8x128xi32, #tpu.memory_space<vmem>>, vector<1x16xi32>,
      %swap3A_534 = vector.shape_cast %swap3A_533 : vector<1x16xi32> to vector<16xi32>
      %swap3A_535 = vector.shape_cast %add3A_529 : vector<16xi32> to vector<1x16xi32>
      tpu.vector_store %arg9[%swap3A_531, %swap3A_532], %swap3A_535 {strides = array<i32>} : memref<8x128xi32, #tpu.memory_space<vmem>>, vector<1x16xi32>,
      %add3A_536 = arith.constant 40 : i32
      %add3A_537 = vector.broadcast %add3A_536 : i32 to vector<16xi32>
      %add3A_538 = arith.addi %get3A_490, %add3A_537 : vector<16xi32>
      %swap3A_539 = arith.constant 5 : i32
      %swap3A_540 = arith.index_cast %swap3A_539 : i32 to index
      %swap3A_541 = arith.constant 32 : index
      %swap3A_542 = tpu.vector_load %arg9[%swap3A_540, %swap3A_541] {strides = array<i32>} : memref<8x128xi32, #tpu.memory_space<vmem>>, vector<1x16xi32>,
      %swap3A_543 = vector.shape_cast %swap3A_542 : vector<1x16xi32> to vector<16xi32>
      %swap3A_544 = vector.shape_cast %add3A_538 : vector<16xi32> to vector<1x16xi32>
      tpu.vector_store %arg9[%swap3A_540, %swap3A_541], %swap3A_544 {strides = array<i32>} : memref<8x128xi32, #tpu.memory_space<vmem>>, vector<1x16xi32>,
      %add3A_545 = arith.constant 48 : i32
      %add3A_546 = vector.broadcast %add3A_545 : i32 to vector<16xi32>
      %add3A_547 = arith.addi %get3A_490, %add3A_546 : vector<16xi32>
      %swap3A_548 = arith.constant 6 : i32
      %swap3A_549 = arith.index_cast %swap3A_548 : i32 to index
      %swap3A_550 = arith.constant 32 : index
      %swap3A_551 = tpu.vector_load %arg9[%swap3A_549, %swap3A_550] {strides = array<i32>} : memref<8x128xi32, #tpu.memory_space<vmem>>, vector<1x16xi32>,
      %swap3A_552 = vector.shape_cast %swap3A_551 : vector<1x16xi32> to vector<16xi32>
      %swap3A_553 = vector.shape_cast %add3A_547 : vector<16xi32> to vector<1x16xi32>
      tpu.vector_store %arg9[%swap3A_549, %swap3A_550], %swap3A_553 {strides = array<i32>} : memref<8x128xi32, #tpu.memory_space<vmem>>, vector<1x16xi32>,
      %add3A_554 = arith.constant 56 : i32
      %add3A_555 = vector.broadcast %add3A_554 : i32 to vector<16xi32>
      %add3A_556 = arith.addi %get3A_490, %add3A_555 : vector<16xi32>
      %swap3A_557 = arith.constant 7 : i32
      %swap3A_558 = arith.index_cast %swap3A_557 : i32 to index
      %swap3A_559 = arith.constant 32 : index
      %swap3A_560 = tpu.vector_load %arg9[%swap3A_558, %swap3A_559] {strides = array<i32>} : memref<8x128xi32, #tpu.memory_space<vmem>>, vector<1x16xi32>,
      %swap3A_561 = vector.shape_cast %swap3A_560 : vector<1x16xi32> to vector<16xi32>
      %swap3A_562 = vector.shape_cast %add3A_556 : vector<16xi32> to vector<1x16xi32>
      tpu.vector_store %arg9[%swap3A_558, %swap3A_559], %swap3A_562 {strides = array<i32>} : memref<8x128xi32, #tpu.memory_space<vmem>>, vector<1x16xi32>,
      %dma_start3A_563 = arith.constant 0 : i32
      %dma_start3A_564 = arith.constant 0 : i32
      %dma_start3A_565 = arith.constant 0 : i32
      %dma_start3A_566 = tpu.memref_slice %arg7[%dma_start3A_564, %dma_start3A_565] : memref<40x1000xf32, #tpu.memory_space<vmem>> -> memref<40x128xf32, #tpu.memory_space<vmem>>
      %dma_start3A_567 = arith.constant 0 : i32
      %dma_start3A_568 = tpu.memref_slice %arg9[%dma_start3A_563, %dma_start3A_567] : memref<8x128xi32, #tpu.memory_space<vmem>> -> memref<1x40xi32, #tpu.memory_space<vmem>>
      %dma_start3A_569 = tpu.memref_squeeze %dma_start3A_568 : memref<1x40xi32, #tpu.memory_space<vmem>> -> memref<40xi32, #tpu.memory_space<vmem>>
      %dma_start3A_570 = arith.constant 0 : i32
      %dma_start3A_571 = arith.constant 0 : i32
      %dma_start3A_572 = tpu.memref_slice %arg3[%dma_start3A_570, %dma_start3A_571] : memref<8000x128xf32, #tpu.memory_space<hbm>> -> memref<8000x128xf32, #tpu.memory_space<hbm>>
      tpu.enqueue_indirect_dma source(%dma_start3A_572 : memref<8000x128xf32, #tpu.memory_space<hbm>>) target(%dma_start3A_566 : memref<40x128xf32, #tpu.memory_space<vmem>>) offsets(%dma_start3A_569 : memref<40xi32, #tpu.memory_space<vmem>>) semaphore(%arg11 : memref<!tpu.dma_semaphore, #tpu.memory_space<semaphore_mem>>)
      %dma_start3A_573 = arith.constant 1 : i32
      %dma_start3A_574 = arith.constant 0 : i32
      %dma_start3A_575 = arith.constant 128 : i32
      %dma_start3A_576 = tpu.memref_slice %arg7[%dma_start3A_574, %dma_start3A_575] : memref<40x1000xf32, #tpu.memory_space<vmem>> -> memref<40x128xf32, #tpu.memory_space<vmem>>
      %dma_start3A_577 = arith.constant 0 : i32
      %dma_start3A_578 = tpu.memref_slice %arg9[%dma_start3A_573, %dma_start3A_577] : memref<8x128xi32, #tpu.memory_space<vmem>> -> memref<1x40xi32, #tpu.memory_space<vmem>>
      %dma_start3A_579 = tpu.memref_squeeze %dma_start3A_578 : memref<1x40xi32, #tpu.memory_space<vmem>> -> memref<40xi32, #tpu.memory_space<vmem>>
      %dma_start3A_580 = arith.constant 0 : i32
      %dma_start3A_581 = arith.constant 0 : i32
      %dma_start3A_582 = tpu.memref_slice %arg3[%dma_start3A_580, %dma_start3A_581] : memref<8000x128xf32, #tpu.memory_space<hbm>> -> memref<8000x128xf32, #tpu.memory_space<hbm>>
      tpu.enqueue_indirect_dma source(%dma_start3A_582 : memref<8000x128xf32, #tpu.memory_space<hbm>>) target(%dma_start3A_576 : memref<40x128xf32, #tpu.memory_space<vmem>>) offsets(%dma_start3A_579 : memref<40xi32, #tpu.memory_space<vmem>>) semaphore(%arg11 : memref<!tpu.dma_semaphore, #tpu.memory_space<semaphore_mem>>)
      %dma_start3A_583 = arith.constant 2 : i32
      %dma_start3A_584 = arith.constant 0 : i32
      %dma_start3A_585 = arith.constant 256 : i32
      %dma_start3A_586 = tpu.memref_slice %arg7[%dma_start3A_584, %dma_start3A_585] : memref<40x1000xf32, #tpu.memory_space<vmem>> -> memref<40x128xf32, #tpu.memory_space<vmem>>
      %dma_start3A_587 = arith.constant 0 : i32
      %dma_start3A_588 = tpu.memref_slice %arg9[%dma_start3A_583, %dma_start3A_587] : memref<8x128xi32, #tpu.memory_space<vmem>> -> memref<1x40xi32, #tpu.memory_space<vmem>>
      %dma_start3A_589 = tpu.memref_squeeze %dma_start3A_588 : memref<1x40xi32, #tpu.memory_space<vmem>> -> memref<40xi32, #tpu.memory_space<vmem>>
      %dma_start3A_590 = arith.constant 0 : i32
      %dma_start3A_591 = arith.constant 0 : i32
      %dma_start3A_592 = tpu.memref_slice %arg3[%dma_start3A_590, %dma_start3A_591] : memref<8000x128xf32, #tpu.memory_space<hbm>> -> memref<8000x128xf32, #tpu.memory_space<hbm>>
      tpu.enqueue_indirect_dma source(%dma_start3A_592 : memref<8000x128xf32, #tpu.memory_space<hbm>>) target(%dma_start3A_586 : memref<40x128xf32, #tpu.memory_space<vmem>>) offsets(%dma_start3A_589 : memref<40xi32, #tpu.memory_space<vmem>>) semaphore(%arg11 : memref<!tpu.dma_semaphore, #tpu.memory_space<semaphore_mem>>)
      %dma_start3A_593 = arith.constant 3 : i32
      %dma_start3A_594 = arith.constant 0 : i32
      %dma_start3A_595 = arith.constant 384 : i32
      %dma_start3A_596 = tpu.memref_slice %arg7[%dma_start3A_594, %dma_start3A_595] : memref<40x1000xf32, #tpu.memory_space<vmem>> -> memref<40x128xf32, #tpu.memory_space<vmem>>
      %dma_start3A_597 = arith.constant 0 : i32
      %dma_start3A_598 = tpu.memref_slice %arg9[%dma_start3A_593, %dma_start3A_597] : memref<8x128xi32, #tpu.memory_space<vmem>> -> memref<1x40xi32, #tpu.memory_space<vmem>>
      %dma_start3A_599 = tpu.memref_squeeze %dma_start3A_598 : memref<1x40xi32, #tpu.memory_space<vmem>> -> memref<40xi32, #tpu.memory_space<vmem>>
      %dma_start3A_600 = arith.constant 0 : i32
      %dma_start3A_601 = arith.constant 0 : i32
      %dma_start3A_602 = tpu.memref_slice %arg3[%dma_start3A_600, %dma_start3A_601] : memref<8000x128xf32, #tpu.memory_space<hbm>> -> memref<8000x128xf32, #tpu.memory_space<hbm>>
      tpu.enqueue_indirect_dma source(%dma_start3A_602 : memref<8000x128xf32, #tpu.memory_space<hbm>>) target(%dma_start3A_596 : memref<40x128xf32, #tpu.memory_space<vmem>>) offsets(%dma_start3A_599 : memref<40xi32, #tpu.memory_space<vmem>>) semaphore(%arg11 : memref<!tpu.dma_semaphore, #tpu.memory_space<semaphore_mem>>)
      %dma_start3A_603 = arith.constant 4 : i32
      %dma_start3A_604 = arith.constant 0 : i32
      %dma_start3A_605 = arith.constant 512 : i32
      %dma_start3A_606 = tpu.memref_slice %arg7[%dma_start3A_604, %dma_start3A_605] : memref<40x1000xf32, #tpu.memory_space<vmem>> -> memref<40x128xf32, #tpu.memory_space<vmem>>
      %dma_start3A_607 = arith.constant 0 : i32
      %dma_start3A_608 = tpu.memref_slice %arg9[%dma_start3A_603, %dma_start3A_607] : memref<8x128xi32, #tpu.memory_space<vmem>> -> memref<1x40xi32, #tpu.memory_space<vmem>>
      %dma_start3A_609 = tpu.memref_squeeze %dma_start3A_608 : memref<1x40xi32, #tpu.memory_space<vmem>> -> memref<40xi32, #tpu.memory_space<vmem>>
      %dma_start3A_610 = arith.constant 0 : i32
      %dma_start3A_611 = arith.constant 0 : i32
      %dma_start3A_612 = tpu.memref_slice %arg3[%dma_start3A_610, %dma_start3A_611] : memref<8000x128xf32, #tpu.memory_space<hbm>> -> memref<8000x128xf32, #tpu.memory_space<hbm>>
      tpu.enqueue_indirect_dma source(%dma_start3A_612 : memref<8000x128xf32, #tpu.memory_space<hbm>>) target(%dma_start3A_606 : memref<40x128xf32, #tpu.memory_space<vmem>>) offsets(%dma_start3A_609 : memref<40xi32, #tpu.memory_space<vmem>>) semaphore(%arg11 : memref<!tpu.dma_semaphore, #tpu.memory_space<semaphore_mem>>)
      %dma_start3A_613 = arith.constant 5 : i32
      %dma_start3A_614 = arith.constant 0 : i32
      %dma_start3A_615 = arith.constant 640 : i32
      %dma_start3A_616 = tpu.memref_slice %arg7[%dma_start3A_614, %dma_start3A_615] : memref<40x1000xf32, #tpu.memory_space<vmem>> -> memref<40x128xf32, #tpu.memory_space<vmem>>
      %dma_start3A_617 = arith.constant 0 : i32
      %dma_start3A_618 = tpu.memref_slice %arg9[%dma_start3A_613, %dma_start3A_617] : memref<8x128xi32, #tpu.memory_space<vmem>> -> memref<1x40xi32, #tpu.memory_space<vmem>>
      %dma_start3A_619 = tpu.memref_squeeze %dma_start3A_618 : memref<1x40xi32, #tpu.memory_space<vmem>> -> memref<40xi32, #tpu.memory_space<vmem>>
      %dma_start3A_620 = arith.constant 0 : i32
      %dma_start3A_621 = arith.constant 0 : i32
      %dma_start3A_622 = tpu.memref_slice %arg3[%dma_start3A_620, %dma_start3A_621] : memref<8000x128xf32, #tpu.memory_space<hbm>> -> memref<8000x128xf32, #tpu.memory_space<hbm>>
      tpu.enqueue_indirect_dma source(%dma_start3A_622 : memref<8000x128xf32, #tpu.memory_space<hbm>>) target(%dma_start3A_616 : memref<40x128xf32, #tpu.memory_space<vmem>>) offsets(%dma_start3A_619 : memref<40xi32, #tpu.memory_space<vmem>>) semaphore(%arg11 : memref<!tpu.dma_semaphore, #tpu.memory_space<semaphore_mem>>)
      %dma_start3A_623 = arith.constant 6 : i32
      %dma_start3A_624 = arith.constant 0 : i32
      %dma_start3A_625 = arith.constant 768 : i32
      %dma_start3A_626 = tpu.memref_slice %arg7[%dma_start3A_624, %dma_start3A_625] : memref<40x1000xf32, #tpu.memory_space<vmem>> -> memref<40x128xf32, #tpu.memory_space<vmem>>
      %dma_start3A_627 = arith.constant 0 : i32
      %dma_start3A_628 = tpu.memref_slice %arg9[%dma_start3A_623, %dma_start3A_627] : memref<8x128xi32, #tpu.memory_space<vmem>> -> memref<1x40xi32, #tpu.memory_space<vmem>>
      %dma_start3A_629 = tpu.memref_squeeze %dma_start3A_628 : memref<1x40xi32, #tpu.memory_space<vmem>> -> memref<40xi32, #tpu.memory_space<vmem>>
      %dma_start3A_630 = arith.constant 0 : i32
      %dma_start3A_631 = arith.constant 0 : i32
      %dma_start3A_632 = tpu.memref_slice %arg3[%dma_start3A_630, %dma_start3A_631] : memref<8000x128xf32, #tpu.memory_space<hbm>> -> memref<8000x128xf32, #tpu.memory_space<hbm>>
      tpu.enqueue_indirect_dma source(%dma_start3A_632 : memref<8000x128xf32, #tpu.memory_space<hbm>>) target(%dma_start3A_626 : memref<40x128xf32, #tpu.memory_space<vmem>>) offsets(%dma_start3A_629 : memref<40xi32, #tpu.memory_space<vmem>>) semaphore(%arg11 : memref<!tpu.dma_semaphore, #tpu.memory_space<semaphore_mem>>)
      %mul3A_633 = arith.constant 0 : i32
      %mul3A_634 = arith.muli %add3A, %mul3A_633 : i32
      %add3A_635 = arith.constant 896 : i32
      %add3A_636 = arith.addi %add3A_635, %mul3A_634 : i32
      %multiple_of3A_637 = tpu.assume_multiple %add3A_636, 128 : i32
      %dma_start3A_638 = arith.constant 7 : i32
      %dma_start3A_639 = arith.constant 0 : i32
      %dma_start3A_640 = tpu.memref_slice %arg7[%dma_start3A_639, %multiple_of3A_637] : memref<40x1000xf32, #tpu.memory_space<vmem>> -> memref<40x128xf32, #tpu.memory_space<vmem>>
      %dma_start3A_641 = arith.constant 0 : i32
      %dma_start3A_642 = tpu.memref_slice %arg9[%dma_start3A_638, %dma_start3A_641] : memref<8x128xi32, #tpu.memory_space<vmem>> -> memref<1x40xi32, #tpu.memory_space<vmem>>
      %dma_start3A_643 = tpu.memref_squeeze %dma_start3A_642 : memref<1x40xi32, #tpu.memory_space<vmem>> -> memref<40xi32, #tpu.memory_space<vmem>>
      %dma_start3A_644 = arith.constant 0 : i32
      %dma_start3A_645 = arith.constant 0 : i32
      %dma_start3A_646 = tpu.memref_slice %arg3[%dma_start3A_644, %dma_start3A_645] : memref<8000x128xf32, #tpu.memory_space<hbm>> -> memref<8000x128xf32, #tpu.memory_space<hbm>>
      tpu.enqueue_indirect_dma source(%dma_start3A_646 : memref<8000x128xf32, #tpu.memory_space<hbm>>) target(%dma_start3A_640 : memref<40x128xf32, #tpu.memory_space<vmem>>) offsets(%dma_start3A_643 : memref<40xi32, #tpu.memory_space<vmem>>) semaphore(%arg11 : memref<!tpu.dma_semaphore, #tpu.memory_space<semaphore_mem>>)
      %dma_wait3A = arith.constant 0 : i32
      %dma_wait3A_647 = arith.constant 0 : i32
      %dma_wait3A_648 = tpu.memref_slice %arg6[%dma_wait3A, %dma_wait3A_647] : memref<40x1000xf32, #tpu.memory_space<vmem>> -> memref<40x128xf32, #tpu.memory_space<vmem>>
      %dma_wait3A_649 = arith.constant 0 : i32
      %dma_wait3A_650 = arith.constant 0 : i32
      %dma_wait3A_651 = tpu.memref_slice %arg3[%dma_wait3A_649, %dma_wait3A_650] : memref<8000x128xf32, #tpu.memory_space<hbm>> -> memref<40x128xf32, #tpu.memory_space<hbm>>
      %dma_wait3A_652 = arith.constant 0 : i32
      %dma_wait3A_653 = arith.constant 0 : i32
      %dma_wait3A_654 = tpu.memref_slice %arg6[%dma_wait3A_652, %dma_wait3A_653] : memref<40x1000xf32, #tpu.memory_space<vmem>> -> memref<40x128xf32, #tpu.memory_space<vmem>>
      %dma_wait3A_655 = arith.constant 0 : i32
      %dma_wait3A_656 = arith.constant 0 : i32
      %dma_wait3A_657 = tpu.memref_slice %arg3[%dma_wait3A_655, %dma_wait3A_656] : memref<8000x128xf32, #tpu.memory_space<hbm>> -> memref<40x128xf32, #tpu.memory_space<hbm>>
      tpu.wait_dma2 semaphore(%arg10 : memref<!tpu.dma_semaphore, #tpu.memory_space<semaphore_mem>>) src(%dma_wait3A_657 : memref<40x128xf32, #tpu.memory_space<hbm>>) dst(%dma_wait3A_654 : memref<40x128xf32, #tpu.memory_space<vmem>>)
      %dma_wait3A_658 = arith.constant 0 : i32
      %dma_wait3A_659 = arith.constant 0 : i32
      %dma_wait3A_660 = tpu.memref_slice %arg6[%dma_wait3A_658, %dma_wait3A_659] : memref<40x1000xf32, #tpu.memory_space<vmem>> -> memref<40x128xf32, #tpu.memory_space<vmem>>
      %dma_wait3A_661 = arith.constant 0 : i32
      %dma_wait3A_662 = arith.constant 0 : i32
      %dma_wait3A_663 = tpu.memref_slice %arg3[%dma_wait3A_661, %dma_wait3A_662] : memref<8000x128xf32, #tpu.memory_space<hbm>> -> memref<40x128xf32, #tpu.memory_space<hbm>>
      %dma_wait3A_664 = arith.constant 0 : i32
      %dma_wait3A_665 = arith.constant 0 : i32
      %dma_wait3A_666 = tpu.memref_slice %arg6[%dma_wait3A_664, %dma_wait3A_665] : memref<40x1000xf32, #tpu.memory_space<vmem>> -> memref<40x128xf32, #tpu.memory_space<vmem>>
      %dma_wait3A_667 = arith.constant 0 : i32
      %dma_wait3A_668 = arith.constant 0 : i32
      %dma_wait3A_669 = tpu.memref_slice %arg3[%dma_wait3A_667, %dma_wait3A_668] : memref<8000x128xf32, #tpu.memory_space<hbm>> -> memref<40x128xf32, #tpu.memory_space<hbm>>
      tpu.wait_dma2 semaphore(%arg10 : memref<!tpu.dma_semaphore, #tpu.memory_space<semaphore_mem>>) src(%dma_wait3A_669 : memref<40x128xf32, #tpu.memory_space<hbm>>) dst(%dma_wait3A_666 : memref<40x128xf32, #tpu.memory_space<vmem>>)
      %dma_wait3A_670 = arith.constant 0 : i32
      %dma_wait3A_671 = arith.constant 0 : i32
      %dma_wait3A_672 = tpu.memref_slice %arg6[%dma_wait3A_670, %dma_wait3A_671] : memref<40x1000xf32, #tpu.memory_space<vmem>> -> memref<40x128xf32, #tpu.memory_space<vmem>>
      %dma_wait3A_673 = arith.constant 0 : i32
      %dma_wait3A_674 = arith.constant 0 : i32
      %dma_wait3A_675 = tpu.memref_slice %arg3[%dma_wait3A_673, %dma_wait3A_674] : memref<8000x128xf32, #tpu.memory_space<hbm>> -> memref<40x128xf32, #tpu.memory_space<hbm>>
      %dma_wait3A_676 = arith.constant 0 : i32
      %dma_wait3A_677 = arith.constant 0 : i32
      %dma_wait3A_678 = tpu.memref_slice %arg6[%dma_wait3A_676, %dma_wait3A_677] : memref<40x1000xf32, #tpu.memory_space<vmem>> -> memref<40x128xf32, #tpu.memory_space<vmem>>
      %dma_wait3A_679 = arith.constant 0 : i32
      %dma_wait3A_680 = arith.constant 0 : i32
      %dma_wait3A_681 = tpu.memref_slice %arg3[%dma_wait3A_679, %dma_wait3A_680] : memref<8000x128xf32, #tpu.memory_space<hbm>> -> memref<40x128xf32, #tpu.memory_space<hbm>>
      tpu.wait_dma2 semaphore(%arg10 : memref<!tpu.dma_semaphore, #tpu.memory_space<semaphore_mem>>) src(%dma_wait3A_681 : memref<40x128xf32, #tpu.memory_space<hbm>>) dst(%dma_wait3A_678 : memref<40x128xf32, #tpu.memory_space<vmem>>)
      %dma_wait3A_682 = arith.constant 0 : i32
      %dma_wait3A_683 = arith.constant 0 : i32
      %dma_wait3A_684 = tpu.memref_slice %arg6[%dma_wait3A_682, %dma_wait3A_683] : memref<40x1000xf32, #tpu.memory_space<vmem>> -> memref<40x128xf32, #tpu.memory_space<vmem>>
      %dma_wait3A_685 = arith.constant 0 : i32
      %dma_wait3A_686 = arith.constant 0 : i32
      %dma_wait3A_687 = tpu.memref_slice %arg3[%dma_wait3A_685, %dma_wait3A_686] : memref<8000x128xf32, #tpu.memory_space<hbm>> -> memref<40x128xf32, #tpu.memory_space<hbm>>
      %dma_wait3A_688 = arith.constant 0 : i32
      %dma_wait3A_689 = arith.constant 0 : i32
      %dma_wait3A_690 = tpu.memref_slice %arg6[%dma_wait3A_688, %dma_wait3A_689] : memref<40x1000xf32, #tpu.memory_space<vmem>> -> memref<40x128xf32, #tpu.memory_space<vmem>>
      %dma_wait3A_691 = arith.constant 0 : i32
      %dma_wait3A_692 = arith.constant 0 : i32
      %dma_wait3A_693 = tpu.memref_slice %arg3[%dma_wait3A_691, %dma_wait3A_692] : memref<8000x128xf32, #tpu.memory_space<hbm>> -> memref<40x128xf32, #tpu.memory_space<hbm>>
      tpu.wait_dma2 semaphore(%arg10 : memref<!tpu.dma_semaphore, #tpu.memory_space<semaphore_mem>>) src(%dma_wait3A_693 : memref<40x128xf32, #tpu.memory_space<hbm>>) dst(%dma_wait3A_690 : memref<40x128xf32, #tpu.memory_space<vmem>>)
      %dma_wait3A_694 = arith.constant 0 : i32
      %dma_wait3A_695 = arith.constant 0 : i32
      %dma_wait3A_696 = tpu.memref_slice %arg6[%dma_wait3A_694, %dma_wait3A_695] : memref<40x1000xf32, #tpu.memory_space<vmem>> -> memref<40x128xf32, #tpu.memory_space<vmem>>
      %dma_wait3A_697 = arith.constant 0 : i32
      %dma_wait3A_698 = arith.constant 0 : i32
      %dma_wait3A_699 = tpu.memref_slice %arg3[%dma_wait3A_697, %dma_wait3A_698] : memref<8000x128xf32, #tpu.memory_space<hbm>> -> memref<40x128xf32, #tpu.memory_space<hbm>>
      %dma_wait3A_700 = arith.constant 0 : i32
      %dma_wait3A_701 = arith.constant 0 : i32
      %dma_wait3A_702 = tpu.memref_slice %arg6[%dma_wait3A_700, %dma_wait3A_701] : memref<40x1000xf32, #tpu.memory_space<vmem>> -> memref<40x128xf32, #tpu.memory_space<vmem>>
      %dma_wait3A_703 = arith.constant 0 : i32
      %dma_wait3A_704 = arith.constant 0 : i32
      %dma_wait3A_705 = tpu.memref_slice %arg3[%dma_wait3A_703, %dma_wait3A_704] : memref<8000x128xf32, #tpu.memory_space<hbm>> -> memref<40x128xf32, #tpu.memory_space<hbm>>
      tpu.wait_dma2 semaphore(%arg10 : memref<!tpu.dma_semaphore, #tpu.memory_space<semaphore_mem>>) src(%dma_wait3A_705 : memref<40x128xf32, #tpu.memory_space<hbm>>) dst(%dma_wait3A_702 : memref<40x128xf32, #tpu.memory_space<vmem>>)
      %dma_wait3A_706 = arith.constant 0 : i32
      %dma_wait3A_707 = arith.constant 0 : i32
      %dma_wait3A_708 = tpu.memref_slice %arg6[%dma_wait3A_706, %dma_wait3A_707] : memref<40x1000xf32, #tpu.memory_space<vmem>> -> memref<40x128xf32, #tpu.memory_space<vmem>>
      %dma_wait3A_709 = arith.constant 0 : i32
      %dma_wait3A_710 = arith.constant 0 : i32
      %dma_wait3A_711 = tpu.memref_slice %arg3[%dma_wait3A_709, %dma_wait3A_710] : memref<8000x128xf32, #tpu.memory_space<hbm>> -> memref<40x128xf32, #tpu.memory_space<hbm>>
      %dma_wait3A_712 = arith.constant 0 : i32
      %dma_wait3A_713 = arith.constant 0 : i32
      %dma_wait3A_714 = tpu.memref_slice %arg6[%dma_wait3A_712, %dma_wait3A_713] : memref<40x1000xf32, #tpu.memory_space<vmem>> -> memref<40x128xf32, #tpu.memory_space<vmem>>
      %dma_wait3A_715 = arith.constant 0 : i32
      %dma_wait3A_716 = arith.constant 0 : i32
      %dma_wait3A_717 = tpu.memref_slice %arg3[%dma_wait3A_715, %dma_wait3A_716] : memref<8000x128xf32, #tpu.memory_space<hbm>> -> memref<40x128xf32, #tpu.memory_space<hbm>>
      tpu.wait_dma2 semaphore(%arg10 : memref<!tpu.dma_semaphore, #tpu.memory_space<semaphore_mem>>) src(%dma_wait3A_717 : memref<40x128xf32, #tpu.memory_space<hbm>>) dst(%dma_wait3A_714 : memref<40x128xf32, #tpu.memory_space<vmem>>)
      %dma_wait3A_718 = arith.constant 0 : i32
      %dma_wait3A_719 = arith.constant 0 : i32
      %dma_wait3A_720 = tpu.memref_slice %arg6[%dma_wait3A_718, %dma_wait3A_719] : memref<40x1000xf32, #tpu.memory_space<vmem>> -> memref<40x128xf32, #tpu.memory_space<vmem>>
      %dma_wait3A_721 = arith.constant 0 : i32
      %dma_wait3A_722 = arith.constant 0 : i32
      %dma_wait3A_723 = tpu.memref_slice %arg3[%dma_wait3A_721, %dma_wait3A_722] : memref<8000x128xf32, #tpu.memory_space<hbm>> -> memref<40x128xf32, #tpu.memory_space<hbm>>
      %dma_wait3A_724 = arith.constant 0 : i32
      %dma_wait3A_725 = arith.constant 0 : i32
      %dma_wait3A_726 = tpu.memref_slice %arg6[%dma_wait3A_724, %dma_wait3A_725] : memref<40x1000xf32, #tpu.memory_space<vmem>> -> memref<40x128xf32, #tpu.memory_space<vmem>>
      %dma_wait3A_727 = arith.constant 0 : i32
      %dma_wait3A_728 = arith.constant 0 : i32
      %dma_wait3A_729 = tpu.memref_slice %arg3[%dma_wait3A_727, %dma_wait3A_728] : memref<8000x128xf32, #tpu.memory_space<hbm>> -> memref<40x128xf32, #tpu.memory_space<hbm>>
      tpu.wait_dma2 semaphore(%arg10 : memref<!tpu.dma_semaphore, #tpu.memory_space<semaphore_mem>>) src(%dma_wait3A_729 : memref<40x128xf32, #tpu.memory_space<hbm>>) dst(%dma_wait3A_726 : memref<40x128xf32, #tpu.memory_space<vmem>>)
      %dma_wait3A_730 = arith.constant 0 : i32
      %dma_wait3A_731 = arith.constant 0 : i32
      %dma_wait3A_732 = tpu.memref_slice %arg6[%dma_wait3A_730, %dma_wait3A_731] : memref<40x1000xf32, #tpu.memory_space<vmem>> -> memref<40x128xf32, #tpu.memory_space<vmem>>
      %dma_wait3A_733 = arith.constant 0 : i32
      %dma_wait3A_734 = arith.constant 0 : i32
      %dma_wait3A_735 = tpu.memref_slice %arg3[%dma_wait3A_733, %dma_wait3A_734] : memref<8000x128xf32, #tpu.memory_space<hbm>> -> memref<40x128xf32, #tpu.memory_space<hbm>>
      %dma_wait3A_736 = arith.constant 0 : i32
      %dma_wait3A_737 = arith.constant 0 : i32
      %dma_wait3A_738 = tpu.memref_slice %arg6[%dma_wait3A_736, %dma_wait3A_737] : memref<40x1000xf32, #tpu.memory_space<vmem>> -> memref<40x128xf32, #tpu.memory_space<vmem>>
      %dma_wait3A_739 = arith.constant 0 : i32
      %dma_wait3A_740 = arith.constant 0 : i32
      %dma_wait3A_741 = tpu.memref_slice %arg3[%dma_wait3A_739, %dma_wait3A_740] : memref<8000x128xf32, #tpu.memory_space<hbm>> -> memref<40x128xf32, #tpu.memory_space<hbm>>
      tpu.wait_dma2 semaphore(%arg10 : memref<!tpu.dma_semaphore, #tpu.memory_space<semaphore_mem>>) src(%dma_wait3A_741 : memref<40x128xf32, #tpu.memory_space<hbm>>) dst(%dma_wait3A_738 : memref<40x128xf32, #tpu.memory_space<vmem>>)
      %jit3A = arith.constant 5 : i32
      %div3A = arith.divsi %add3A_323, %jit3A : i32
      %sign3A = arith.constant 0 : i32
      %sign3A_742 = arith.cmpi sgt, %add3A_323, %sign3A : i32
      %sign3A_743 = arith.extui %sign3A_742 : i1 to i32
      %sign3A_744 = arith.constant 0 : i32
      %sign3A_745 = arith.cmpi slt, %add3A_323, %sign3A_744 : i32
      %sign3A_746 = arith.extui %sign3A_745 : i1 to i32
      %sign3A_747 = arith.subi %sign3A_743, %sign3A_746 : i32
      %sign3A_748 = arith.constant 0 : i32
      %sign3A_749 = arith.cmpi sgt, %jit3A, %sign3A_748 : i32
      %sign3A_750 = arith.extui %sign3A_749 : i1 to i32
      %sign3A_751 = arith.constant 0 : i32
      %sign3A_752 = arith.cmpi slt, %jit3A, %sign3A_751 : i32
      %sign3A_753 = arith.extui %sign3A_752 : i1 to i32
      %sign3A_754 = arith.subi %sign3A_750, %sign3A_753 : i32
      %ne3A = arith.cmpi ne, %sign3A_747, %sign3A_754 : i32
      %rem3A = arith.remsi %add3A_323, %jit3A : i32
      %ne3A_755 = arith.constant 0 : i32
      %ne3A_756 = arith.cmpi ne, %rem3A, %ne3A_755 : i32
      %and3A = arith.andi %ne3A, %ne3A_756 : i1
      %sub3A = arith.constant 1 : i32
      %sub3A_757 = arith.subi %div3A, %sub3A : i32
      %select_n3A = arith.select %and3A, %sub3A_757, %div3A : i32
      %add3A_758 = arith.addi %mul3A_4, %select_n3A : i32
      %jit3A_759 = arith.constant 5 : i32
      %eq3A = arith.constant 0 : i32
      %eq3A_760 = arith.cmpi eq, %jit3A_759, %eq3A : i32
      %jit3A_761 = arith.constant 1 : i32
      %select_n3A_762 = arith.select %eq3A_760, %jit3A_761, %jit3A_759 : i32
      %rem3A_763 = arith.remsi %add3A_323, %select_n3A_762 : i32
      %ne3A_764 = arith.constant 0 : i32
      %ne3A_765 = arith.cmpi ne, %rem3A_763, %ne3A_764 : i32
      %lt3A = arith.constant 0 : i32
      %lt3A_766 = arith.cmpi slt, %rem3A_763, %lt3A : i32
      %lt3A_767 = arith.constant 0 : i32
      %lt3A_768 = arith.cmpi slt, %select_n3A_762, %lt3A_767 : i32
      %ne3A_769 = arith.xori %lt3A_766, %lt3A_768 : i1
      %and3A_770 = arith.andi %ne3A_769, %ne3A_765 : i1
      %add3A_771 = arith.addi %rem3A_763, %select_n3A_762 : i32
      %select_n3A_772 = arith.select %and3A_770, %add3A_771, %rem3A_763 : i32
      %mul3A_773 = arith.constant 40 : i32
      %mul3A_774 = arith.muli %select_n3A_772, %mul3A_773 : i32
      "tpu.region"() ({
        %run_scoped3A = tpu.sem_alloc : memref<!tpu.dma_semaphore, #tpu.memory_space<semaphore_mem>>
        %dma_start3A_921 = arith.constant 0 : i32
        %dma_start3A_922 = arith.constant 0 : i32
        %dma_start3A_923 = tpu.memref_slice %arg4[%add3A_758, %dma_start3A_921, %dma_start3A_922] : memref<1024x200x1000xf32, #tpu.memory_space<hbm>> -> memref<1x200x1000xf32, #tpu.memory_space<hbm>>
        %dma_start3A_924 = tpu.memref_squeeze %dma_start3A_923 : memref<1x200x1000xf32, #tpu.memory_space<hbm>> -> memref<200x1000xf32, #tpu.memory_space<hbm>>
        %dma_start3A_925 = arith.constant 0 : i32
        %dma_start3A_926 = tpu.memref_slice %dma_start3A_924[%mul3A_774, %dma_start3A_925] : memref<200x1000xf32, #tpu.memory_space<hbm>> -> memref<40x1000xf32, #tpu.memory_space<hbm>>
        %dma_start3A_927 = arith.constant 0 : i32
        %dma_start3A_928 = arith.constant 0 : i32
        %dma_start3A_929 = tpu.memref_slice %arg4[%add3A_758, %dma_start3A_927, %dma_start3A_928] : memref<1024x200x1000xf32, #tpu.memory_space<hbm>> -> memref<1x200x1000xf32, #tpu.memory_space<hbm>>
        %dma_start3A_930 = tpu.memref_squeeze %dma_start3A_929 : memref<1x200x1000xf32, #tpu.memory_space<hbm>> -> memref<200x1000xf32, #tpu.memory_space<hbm>>
        %dma_start3A_931 = arith.constant 0 : i32
        %dma_start3A_932 = tpu.memref_slice %dma_start3A_930[%mul3A_774, %dma_start3A_931] : memref<200x1000xf32, #tpu.memory_space<hbm>> -> memref<40x1000xf32, #tpu.memory_space<hbm>>
        tpu.enqueue_dma source(%arg6 : memref<40x1000xf32, #tpu.memory_space<vmem>>) target(%dma_start3A_932 : memref<40x1000xf32, #tpu.memory_space<hbm>>) target_semaphore(%run_scoped3A : memref<!tpu.dma_semaphore, #tpu.memory_space<semaphore_mem>>)
        %dma_wait3A_933 = arith.constant 0 : i32
        %dma_wait3A_934 = arith.constant 0 : i32
        %dma_wait3A_935 = tpu.memref_slice %arg4[%add3A_758, %dma_wait3A_933, %dma_wait3A_934] : memref<1024x200x1000xf32, #tpu.memory_space<hbm>> -> memref<1x200x1000xf32, #tpu.memory_space<hbm>>
        %dma_wait3A_936 = tpu.memref_squeeze %dma_wait3A_935 : memref<1x200x1000xf32, #tpu.memory_space<hbm>> -> memref<200x1000xf32, #tpu.memory_space<hbm>>
        %dma_wait3A_937 = arith.constant 0 : i32
        %dma_wait3A_938 = tpu.memref_slice %dma_wait3A_936[%mul3A_774, %dma_wait3A_937] : memref<200x1000xf32, #tpu.memory_space<hbm>> -> memref<40x1000xf32, #tpu.memory_space<hbm>>
        %dma_wait3A_939 = arith.constant 0 : i32
        %dma_wait3A_940 = arith.constant 0 : i32
        %dma_wait3A_941 = tpu.memref_slice %arg4[%add3A_758, %dma_wait3A_939, %dma_wait3A_940] : memref<1024x200x1000xf32, #tpu.memory_space<hbm>> -> memref<1x200x1000xf32, #tpu.memory_space<hbm>>
        %dma_wait3A_942 = tpu.memref_squeeze %dma_wait3A_941 : memref<1x200x1000xf32, #tpu.memory_space<hbm>> -> memref<200x1000xf32, #tpu.memory_space<hbm>>
        %dma_wait3A_943 = arith.constant 0 : i32
        %dma_wait3A_944 = tpu.memref_slice %dma_wait3A_942[%mul3A_774, %dma_wait3A_943] : memref<200x1000xf32, #tpu.memory_space<hbm>> -> memref<40x1000xf32, #tpu.memory_space<hbm>>
        tpu.wait_dma2 semaphore(%run_scoped3A : memref<!tpu.dma_semaphore, #tpu.memory_space<semaphore_mem>>) src(%arg6 : memref<40x1000xf32, #tpu.memory_space<vmem>>) dst(%dma_wait3A_944 : memref<40x1000xf32, #tpu.memory_space<hbm>>)
        tpu.yield
      }) : () -> ()
      %add3A_775 = arith.constant 2 : i32
      %add3A_776 = arith.addi %add3A_323, %add3A_775 : i32
      %lt3A_777 = arith.constant 160 : i32
      %lt3A_778 = arith.cmpi slt, %add3A_776, %lt3A_777 : i32
      %convert_element_type3A = arith.extui %lt3A_778 : i1 to i32
      %cond3A = arith.constant 0 : i32
      %cond3A_779 = arith.cmpi ne, %convert_element_type3A, %cond3A : i32
      scf.if %cond3A_779 {
        %add3A_921 = arith.constant 2 : i32
        %add3A_922 = arith.addi %add3A_323, %add3A_921 : i32
        %mul3A_923 = arith.constant 40 : i32
        %mul3A_924 = arith.muli %add3A_922, %mul3A_923 : i32
        %add3A_925 = arith.constant 0 : i32
        %add3A_926 = arith.addi %mul3A_924, %add3A_925 : i32
        %get3A_927 = arith.index_cast %add3A_926 : i32 to index
        %get3A_928 = tpu.vector_load %arg5[%get3A_927] {strides = array<i32>} : memref<6416xi32, #tpu.memory_space<vmem>>, vector<16xi32>,
        %get3A_929 = vector.shape_cast %get3A_928 : vector<16xi32> to vector<16xi32>
        %add3A_930 = arith.constant 0 : i32
        %add3A_931 = vector.broadcast %add3A_930 : i32 to vector<16xi32>
        %add3A_932 = arith.addi %get3A_929, %add3A_931 : vector<16xi32>
        %swap3A_933 = arith.constant 0 : i32
        %swap3A_934 = arith.index_cast %swap3A_933 : i32 to index
        %swap3A_935 = arith.constant 0 : index
        %swap3A_936 = tpu.vector_load %arg8[%swap3A_934, %swap3A_935] {strides = array<i32>} : memref<8x128xi32, #tpu.memory_space<vmem>>, vector<1x16xi32>,
        %swap3A_937 = vector.shape_cast %swap3A_936 : vector<1x16xi32> to vector<16xi32>
        %swap3A_938 = vector.shape_cast %add3A_932 : vector<16xi32> to vector<1x16xi32>
        tpu.vector_store %arg8[%swap3A_934, %swap3A_935], %swap3A_938 {strides = array<i32>} : memref<8x128xi32, #tpu.memory_space<vmem>>, vector<1x16xi32>,
        %add3A_939 = arith.constant 8 : i32
        %add3A_940 = vector.broadcast %add3A_939 : i32 to vector<16xi32>
        %add3A_941 = arith.addi %get3A_929, %add3A_940 : vector<16xi32>
        %swap3A_942 = arith.constant 1 : i32
        %swap3A_943 = arith.index_cast %swap3A_942 : i32 to index
        %swap3A_944 = arith.constant 0 : index
        %swap3A_945 = tpu.vector_load %arg8[%swap3A_943, %swap3A_944] {strides = array<i32>} : memref<8x128xi32, #tpu.memory_space<vmem>>, vector<1x16xi32>,
        %swap3A_946 = vector.shape_cast %swap3A_945 : vector<1x16xi32> to vector<16xi32>
        %swap3A_947 = vector.shape_cast %add3A_941 : vector<16xi32> to vector<1x16xi32>
        tpu.vector_store %arg8[%swap3A_943, %swap3A_944], %swap3A_947 {strides = array<i32>} : memref<8x128xi32, #tpu.memory_space<vmem>>, vector<1x16xi32>,
        %add3A_948 = arith.constant 16 : i32
        %add3A_949 = vector.broadcast %add3A_948 : i32 to vector<16xi32>
        %add3A_950 = arith.addi %get3A_929, %add3A_949 : vector<16xi32>
        %swap3A_951 = arith.constant 2 : i32
        %swap3A_952 = arith.index_cast %swap3A_951 : i32 to index
        %swap3A_953 = arith.constant 0 : index
        %swap3A_954 = tpu.vector_load %arg8[%swap3A_952, %swap3A_953] {strides = array<i32>} : memref<8x128xi32, #tpu.memory_space<vmem>>, vector<1x16xi32>,
        %swap3A_955 = vector.shape_cast %swap3A_954 : vector<1x16xi32> to vector<16xi32>
        %swap3A_956 = vector.shape_cast %add3A_950 : vector<16xi32> to vector<1x16xi32>
        tpu.vector_store %arg8[%swap3A_952, %swap3A_953], %swap3A_956 {strides = array<i32>} : memref<8x128xi32, #tpu.memory_space<vmem>>, vector<1x16xi32>,
        %add3A_957 = arith.constant 24 : i32
        %add3A_958 = vector.broadcast %add3A_957 : i32 to vector<16xi32>
        %add3A_959 = arith.addi %get3A_929, %add3A_958 : vector<16xi32>
        %swap3A_960 = arith.constant 3 : i32
        %swap3A_961 = arith.index_cast %swap3A_960 : i32 to index
        %swap3A_962 = arith.constant 0 : index
        %swap3A_963 = tpu.vector_load %arg8[%swap3A_961, %swap3A_962] {strides = array<i32>} : memref<8x128xi32, #tpu.memory_space<vmem>>, vector<1x16xi32>,
        %swap3A_964 = vector.shape_cast %swap3A_963 : vector<1x16xi32> to vector<16xi32>
        %swap3A_965 = vector.shape_cast %add3A_959 : vector<16xi32> to vector<1x16xi32>
        tpu.vector_store %arg8[%swap3A_961, %swap3A_962], %swap3A_965 {strides = array<i32>} : memref<8x128xi32, #tpu.memory_space<vmem>>, vector<1x16xi32>,
        %add3A_966 = arith.constant 32 : i32
        %add3A_967 = vector.broadcast %add3A_966 : i32 to vector<16xi32>
        %add3A_968 = arith.addi %get3A_929, %add3A_967 : vector<16xi32>
        %swap3A_969 = arith.constant 4 : i32
        %swap3A_970 = arith.index_cast %swap3A_969 : i32 to index
        %swap3A_971 = arith.constant 0 : index
        %swap3A_972 = tpu.vector_load %arg8[%swap3A_970, %swap3A_971] {strides = array<i32>} : memref<8x128xi32, #tpu.memory_space<vmem>>, vector<1x16xi32>,
        %swap3A_973 = vector.shape_cast %swap3A_972 : vector<1x16xi32> to vector<16xi32>
        %swap3A_974 = vector.shape_cast %add3A_968 : vector<16xi32> to vector<1x16xi32>
        tpu.vector_store %arg8[%swap3A_970, %swap3A_971], %swap3A_974 {strides = array<i32>} : memref<8x128xi32, #tpu.memory_space<vmem>>, vector<1x16xi32>,
        %add3A_975 = arith.constant 40 : i32
        %add3A_976 = vector.broadcast %add3A_975 : i32 to vector<16xi32>
        %add3A_977 = arith.addi %get3A_929, %add3A_976 : vector<16xi32>
        %swap3A_978 = arith.constant 5 : i32
        %swap3A_979 = arith.index_cast %swap3A_978 : i32 to index
        %swap3A_980 = arith.constant 0 : index
        %swap3A_981 = tpu.vector_load %arg8[%swap3A_979, %swap3A_980] {strides = array<i32>} : memref<8x128xi32, #tpu.memory_space<vmem>>, vector<1x16xi32>,
        %swap3A_982 = vector.shape_cast %swap3A_981 : vector<1x16xi32> to vector<16xi32>
        %swap3A_983 = vector.shape_cast %add3A_977 : vector<16xi32> to vector<1x16xi32>
        tpu.vector_store %arg8[%swap3A_979, %swap3A_980], %swap3A_983 {strides = array<i32>} : memref<8x128xi32, #tpu.memory_space<vmem>>, vector<1x16xi32>,
        %add3A_984 = arith.constant 48 : i32
        %add3A_985 = vector.broadcast %add3A_984 : i32 to vector<16xi32>
        %add3A_986 = arith.addi %get3A_929, %add3A_985 : vector<16xi32>
        %swap3A_987 = arith.constant 6 : i32
        %swap3A_988 = arith.index_cast %swap3A_987 : i32 to index
        %swap3A_989 = arith.constant 0 : index
        %swap3A_990 = tpu.vector_load %arg8[%swap3A_988, %swap3A_989] {strides = array<i32>} : memref<8x128xi32, #tpu.memory_space<vmem>>, vector<1x16xi32>,
        %swap3A_991 = vector.shape_cast %swap3A_990 : vector<1x16xi32> to vector<16xi32>
        %swap3A_992 = vector.shape_cast %add3A_986 : vector<16xi32> to vector<1x16xi32>
        tpu.vector_store %arg8[%swap3A_988, %swap3A_989], %swap3A_992 {strides = array<i32>} : memref<8x128xi32, #tpu.memory_space<vmem>>, vector<1x16xi32>,
        %add3A_993 = arith.constant 56 : i32
        %add3A_994 = vector.broadcast %add3A_993 : i32 to vector<16xi32>
        %add3A_995 = arith.addi %get3A_929, %add3A_994 : vector<16xi32>
        %swap3A_996 = arith.constant 7 : i32
        %swap3A_997 = arith.index_cast %swap3A_996 : i32 to index
        %swap3A_998 = arith.constant 0 : index
        %swap3A_999 = tpu.vector_load %arg8[%swap3A_997, %swap3A_998] {strides = array<i32>} : memref<8x128xi32, #tpu.memory_space<vmem>>, vector<1x16xi32>,
        %swap3A_1000 = vector.shape_cast %swap3A_999 : vector<1x16xi32> to vector<16xi32>
        %swap3A_1001 = vector.shape_cast %add3A_995 : vector<16xi32> to vector<1x16xi32>
        tpu.vector_store %arg8[%swap3A_997, %swap3A_998], %swap3A_1001 {strides = array<i32>} : memref<8x128xi32, #tpu.memory_space<vmem>>, vector<1x16xi32>,
        %mul3A_1002 = arith.constant 40 : i32
        %mul3A_1003 = arith.muli %add3A_922, %mul3A_1002 : i32
        %add3A_1004 = arith.constant 16 : i32
        %add3A_1005 = arith.addi %mul3A_1003, %add3A_1004 : i32
        %get3A_1006 = arith.index_cast %add3A_1005 : i32 to index
        %get3A_1007 = tpu.vector_load %arg5[%get3A_1006] {strides = array<i32>} : memref<6416xi32, #tpu.memory_space<vmem>>, vector<16xi32>,
        %get3A_1008 = vector.shape_cast %get3A_1007 : vector<16xi32> to vector<16xi32>
        %add3A_1009 = arith.constant 0 : i32
        %add3A_1010 = vector.broadcast %add3A_1009 : i32 to vector<16xi32>
        %add3A_1011 = arith.addi %get3A_1008, %add3A_1010 : vector<16xi32>
        %swap3A_1012 = arith.constant 0 : i32
        %swap3A_1013 = arith.index_cast %swap3A_1012 : i32 to index
        %swap3A_1014 = arith.constant 16 : index
        %swap3A_1015 = tpu.vector_load %arg8[%swap3A_1013, %swap3A_1014] {strides = array<i32>} : memref<8x128xi32, #tpu.memory_space<vmem>>, vector<1x16xi32>,
        %swap3A_1016 = vector.shape_cast %swap3A_1015 : vector<1x16xi32> to vector<16xi32>
        %swap3A_1017 = vector.shape_cast %add3A_1011 : vector<16xi32> to vector<1x16xi32>
        tpu.vector_store %arg8[%swap3A_1013, %swap3A_1014], %swap3A_1017 {strides = array<i32>} : memref<8x128xi32, #tpu.memory_space<vmem>>, vector<1x16xi32>,
        %add3A_1018 = arith.constant 8 : i32
        %add3A_1019 = vector.broadcast %add3A_1018 : i32 to vector<16xi32>
        %add3A_1020 = arith.addi %get3A_1008, %add3A_1019 : vector<16xi32>
        %swap3A_1021 = arith.constant 1 : i32
        %swap3A_1022 = arith.index_cast %swap3A_1021 : i32 to index
        %swap3A_1023 = arith.constant 16 : index
        %swap3A_1024 = tpu.vector_load %arg8[%swap3A_1022, %swap3A_1023] {strides = array<i32>} : memref<8x128xi32, #tpu.memory_space<vmem>>, vector<1x16xi32>,
        %swap3A_1025 = vector.shape_cast %swap3A_1024 : vector<1x16xi32> to vector<16xi32>
        %swap3A_1026 = vector.shape_cast %add3A_1020 : vector<16xi32> to vector<1x16xi32>
        tpu.vector_store %arg8[%swap3A_1022, %swap3A_1023], %swap3A_1026 {strides = array<i32>} : memref<8x128xi32, #tpu.memory_space<vmem>>, vector<1x16xi32>,
        %add3A_1027 = arith.constant 16 : i32
        %add3A_1028 = vector.broadcast %add3A_1027 : i32 to vector<16xi32>
        %add3A_1029 = arith.addi %get3A_1008, %add3A_1028 : vector<16xi32>
        %swap3A_1030 = arith.constant 2 : i32
        %swap3A_1031 = arith.index_cast %swap3A_1030 : i32 to index
        %swap3A_1032 = arith.constant 16 : index
        %swap3A_1033 = tpu.vector_load %arg8[%swap3A_1031, %swap3A_1032] {strides = array<i32>} : memref<8x128xi32, #tpu.memory_space<vmem>>, vector<1x16xi32>,
        %swap3A_1034 = vector.shape_cast %swap3A_1033 : vector<1x16xi32> to vector<16xi32>
        %swap3A_1035 = vector.shape_cast %add3A_1029 : vector<16xi32> to vector<1x16xi32>
        tpu.vector_store %arg8[%swap3A_1031, %swap3A_1032], %swap3A_1035 {strides = array<i32>} : memref<8x128xi32, #tpu.memory_space<vmem>>, vector<1x16xi32>,
        %add3A_1036 = arith.constant 24 : i32
        %add3A_1037 = vector.broadcast %add3A_1036 : i32 to vector<16xi32>
        %add3A_1038 = arith.addi %get3A_1008, %add3A_1037 : vector<16xi32>
        %swap3A_1039 = arith.constant 3 : i32
        %swap3A_1040 = arith.index_cast %swap3A_1039 : i32 to index
        %swap3A_1041 = arith.constant 16 : index
        %swap3A_1042 = tpu.vector_load %arg8[%swap3A_1040, %swap3A_1041] {strides = array<i32>} : memref<8x128xi32, #tpu.memory_space<vmem>>, vector<1x16xi32>,
        %swap3A_1043 = vector.shape_cast %swap3A_1042 : vector<1x16xi32> to vector<16xi32>
        %swap3A_1044 = vector.shape_cast %add3A_1038 : vector<16xi32> to vector<1x16xi32>
        tpu.vector_store %arg8[%swap3A_1040, %swap3A_1041], %swap3A_1044 {strides = array<i32>} : memref<8x128xi32, #tpu.memory_space<vmem>>, vector<1x16xi32>,
        %add3A_1045 = arith.constant 32 : i32
        %add3A_1046 = vector.broadcast %add3A_1045 : i32 to vector<16xi32>
        %add3A_1047 = arith.addi %get3A_1008, %add3A_1046 : vector<16xi32>
        %swap3A_1048 = arith.constant 4 : i32
        %swap3A_1049 = arith.index_cast %swap3A_1048 : i32 to index
        %swap3A_1050 = arith.constant 16 : index
        %swap3A_1051 = tpu.vector_load %arg8[%swap3A_1049, %swap3A_1050] {strides = array<i32>} : memref<8x128xi32, #tpu.memory_space<vmem>>, vector<1x16xi32>,
        %swap3A_1052 = vector.shape_cast %swap3A_1051 : vector<1x16xi32> to vector<16xi32>
        %swap3A_1053 = vector.shape_cast %add3A_1047 : vector<16xi32> to vector<1x16xi32>
        tpu.vector_store %arg8[%swap3A_1049, %swap3A_1050], %swap3A_1053 {strides = array<i32>} : memref<8x128xi32, #tpu.memory_space<vmem>>, vector<1x16xi32>,
        %add3A_1054 = arith.constant 40 : i32
        %add3A_1055 = vector.broadcast %add3A_1054 : i32 to vector<16xi32>
        %add3A_1056 = arith.addi %get3A_1008, %add3A_1055 : vector<16xi32>
        %swap3A_1057 = arith.constant 5 : i32
        %swap3A_1058 = arith.index_cast %swap3A_1057 : i32 to index
        %swap3A_1059 = arith.constant 16 : index
        %swap3A_1060 = tpu.vector_load %arg8[%swap3A_1058, %swap3A_1059] {strides = array<i32>} : memref<8x128xi32, #tpu.memory_space<vmem>>, vector<1x16xi32>,
        %swap3A_1061 = vector.shape_cast %swap3A_1060 : vector<1x16xi32> to vector<16xi32>
        %swap3A_1062 = vector.shape_cast %add3A_1056 : vector<16xi32> to vector<1x16xi32>
        tpu.vector_store %arg8[%swap3A_1058, %swap3A_1059], %swap3A_1062 {strides = array<i32>} : memref<8x128xi32, #tpu.memory_space<vmem>>, vector<1x16xi32>,
        %add3A_1063 = arith.constant 48 : i32
        %add3A_1064 = vector.broadcast %add3A_1063 : i32 to vector<16xi32>
        %add3A_1065 = arith.addi %get3A_1008, %add3A_1064 : vector<16xi32>
        %swap3A_1066 = arith.constant 6 : i32
        %swap3A_1067 = arith.index_cast %swap3A_1066 : i32 to index
        %swap3A_1068 = arith.constant 16 : index
        %swap3A_1069 = tpu.vector_load %arg8[%swap3A_1067, %swap3A_1068] {strides = array<i32>} : memref<8x128xi32, #tpu.memory_space<vmem>>, vector<1x16xi32>,
        %swap3A_1070 = vector.shape_cast %swap3A_1069 : vector<1x16xi32> to vector<16xi32>
        %swap3A_1071 = vector.shape_cast %add3A_1065 : vector<16xi32> to vector<1x16xi32>
        tpu.vector_store %arg8[%swap3A_1067, %swap3A_1068], %swap3A_1071 {strides = array<i32>} : memref<8x128xi32, #tpu.memory_space<vmem>>, vector<1x16xi32>,
        %add3A_1072 = arith.constant 56 : i32
        %add3A_1073 = vector.broadcast %add3A_1072 : i32 to vector<16xi32>
        %add3A_1074 = arith.addi %get3A_1008, %add3A_1073 : vector<16xi32>
        %swap3A_1075 = arith.constant 7 : i32
        %swap3A_1076 = arith.index_cast %swap3A_1075 : i32 to index
        %swap3A_1077 = arith.constant 16 : index
        %swap3A_1078 = tpu.vector_load %arg8[%swap3A_1076, %swap3A_1077] {strides = array<i32>} : memref<8x128xi32, #tpu.memory_space<vmem>>, vector<1x16xi32>,
        %swap3A_1079 = vector.shape_cast %swap3A_1078 : vector<1x16xi32> to vector<16xi32>
        %swap3A_1080 = vector.shape_cast %add3A_1074 : vector<16xi32> to vector<1x16xi32>
        tpu.vector_store %arg8[%swap3A_1076, %swap3A_1077], %swap3A_1080 {strides = array<i32>} : memref<8x128xi32, #tpu.memory_space<vmem>>, vector<1x16xi32>,
        %mul3A_1081 = arith.constant 40 : i32
        %mul3A_1082 = arith.muli %add3A_922, %mul3A_1081 : i32
        %add3A_1083 = arith.constant 32 : i32
        %add3A_1084 = arith.addi %mul3A_1082, %add3A_1083 : i32
        %get3A_1085 = arith.index_cast %add3A_1084 : i32 to index
        %get3A_1086 = tpu.vector_load %arg5[%get3A_1085] {strides = array<i32>} : memref<6416xi32, #tpu.memory_space<vmem>>, vector<16xi32>,
        %get3A_1087 = vector.shape_cast %get3A_1086 : vector<16xi32> to vector<16xi32>
        %add3A_1088 = arith.constant 0 : i32
        %add3A_1089 = vector.broadcast %add3A_1088 : i32 to vector<16xi32>
        %add3A_1090 = arith.addi %get3A_1087, %add3A_1089 : vector<16xi32>
        %swap3A_1091 = arith.constant 0 : i32
        %swap3A_1092 = arith.index_cast %swap3A_1091 : i32 to index
        %swap3A_1093 = arith.constant 32 : index
        %swap3A_1094 = tpu.vector_load %arg8[%swap3A_1092, %swap3A_1093] {strides = array<i32>} : memref<8x128xi32, #tpu.memory_space<vmem>>, vector<1x16xi32>,
        %swap3A_1095 = vector.shape_cast %swap3A_1094 : vector<1x16xi32> to vector<16xi32>
        %swap3A_1096 = vector.shape_cast %add3A_1090 : vector<16xi32> to vector<1x16xi32>
        tpu.vector_store %arg8[%swap3A_1092, %swap3A_1093], %swap3A_1096 {strides = array<i32>} : memref<8x128xi32, #tpu.memory_space<vmem>>, vector<1x16xi32>,
        %add3A_1097 = arith.constant 8 : i32
        %add3A_1098 = vector.broadcast %add3A_1097 : i32 to vector<16xi32>
        %add3A_1099 = arith.addi %get3A_1087, %add3A_1098 : vector<16xi32>
        %swap3A_1100 = arith.constant 1 : i32
        %swap3A_1101 = arith.index_cast %swap3A_1100 : i32 to index
        %swap3A_1102 = arith.constant 32 : index
        %swap3A_1103 = tpu.vector_load %arg8[%swap3A_1101, %swap3A_1102] {strides = array<i32>} : memref<8x128xi32, #tpu.memory_space<vmem>>, vector<1x16xi32>,
        %swap3A_1104 = vector.shape_cast %swap3A_1103 : vector<1x16xi32> to vector<16xi32>
        %swap3A_1105 = vector.shape_cast %add3A_1099 : vector<16xi32> to vector<1x16xi32>
        tpu.vector_store %arg8[%swap3A_1101, %swap3A_1102], %swap3A_1105 {strides = array<i32>} : memref<8x128xi32, #tpu.memory_space<vmem>>, vector<1x16xi32>,
        %add3A_1106 = arith.constant 16 : i32
        %add3A_1107 = vector.broadcast %add3A_1106 : i32 to vector<16xi32>
        %add3A_1108 = arith.addi %get3A_1087, %add3A_1107 : vector<16xi32>
        %swap3A_1109 = arith.constant 2 : i32
        %swap3A_1110 = arith.index_cast %swap3A_1109 : i32 to index
        %swap3A_1111 = arith.constant 32 : index
        %swap3A_1112 = tpu.vector_load %arg8[%swap3A_1110, %swap3A_1111] {strides = array<i32>} : memref<8x128xi32, #tpu.memory_space<vmem>>, vector<1x16xi32>,
        %swap3A_1113 = vector.shape_cast %swap3A_1112 : vector<1x16xi32> to vector<16xi32>
        %swap3A_1114 = vector.shape_cast %add3A_1108 : vector<16xi32> to vector<1x16xi32>
        tpu.vector_store %arg8[%swap3A_1110, %swap3A_1111], %swap3A_1114 {strides = array<i32>} : memref<8x128xi32, #tpu.memory_space<vmem>>, vector<1x16xi32>,
        %add3A_1115 = arith.constant 24 : i32
        %add3A_1116 = vector.broadcast %add3A_1115 : i32 to vector<16xi32>
        %add3A_1117 = arith.addi %get3A_1087, %add3A_1116 : vector<16xi32>
        %swap3A_1118 = arith.constant 3 : i32
        %swap3A_1119 = arith.index_cast %swap3A_1118 : i32 to index
        %swap3A_1120 = arith.constant 32 : index
        %swap3A_1121 = tpu.vector_load %arg8[%swap3A_1119, %swap3A_1120] {strides = array<i32>} : memref<8x128xi32, #tpu.memory_space<vmem>>, vector<1x16xi32>,
        %swap3A_1122 = vector.shape_cast %swap3A_1121 : vector<1x16xi32> to vector<16xi32>
        %swap3A_1123 = vector.shape_cast %add3A_1117 : vector<16xi32> to vector<1x16xi32>
        tpu.vector_store %arg8[%swap3A_1119, %swap3A_1120], %swap3A_1123 {strides = array<i32>} : memref<8x128xi32, #tpu.memory_space<vmem>>, vector<1x16xi32>,
        %add3A_1124 = arith.constant 32 : i32
        %add3A_1125 = vector.broadcast %add3A_1124 : i32 to vector<16xi32>
        %add3A_1126 = arith.addi %get3A_1087, %add3A_1125 : vector<16xi32>
        %swap3A_1127 = arith.constant 4 : i32
        %swap3A_1128 = arith.index_cast %swap3A_1127 : i32 to index
        %swap3A_1129 = arith.constant 32 : index
        %swap3A_1130 = tpu.vector_load %arg8[%swap3A_1128, %swap3A_1129] {strides = array<i32>} : memref<8x128xi32, #tpu.memory_space<vmem>>, vector<1x16xi32>,
        %swap3A_1131 = vector.shape_cast %swap3A_1130 : vector<1x16xi32> to vector<16xi32>
        %swap3A_1132 = vector.shape_cast %add3A_1126 : vector<16xi32> to vector<1x16xi32>
        tpu.vector_store %arg8[%swap3A_1128, %swap3A_1129], %swap3A_1132 {strides = array<i32>} : memref<8x128xi32, #tpu.memory_space<vmem>>, vector<1x16xi32>,
        %add3A_1133 = arith.constant 40 : i32
        %add3A_1134 = vector.broadcast %add3A_1133 : i32 to vector<16xi32>
        %add3A_1135 = arith.addi %get3A_1087, %add3A_1134 : vector<16xi32>
        %swap3A_1136 = arith.constant 5 : i32
        %swap3A_1137 = arith.index_cast %swap3A_1136 : i32 to index
        %swap3A_1138 = arith.constant 32 : index
        %swap3A_1139 = tpu.vector_load %arg8[%swap3A_1137, %swap3A_1138] {strides = array<i32>} : memref<8x128xi32, #tpu.memory_space<vmem>>, vector<1x16xi32>,
        %swap3A_1140 = vector.shape_cast %swap3A_1139 : vector<1x16xi32> to vector<16xi32>
        %swap3A_1141 = vector.shape_cast %add3A_1135 : vector<16xi32> to vector<1x16xi32>
        tpu.vector_store %arg8[%swap3A_1137, %swap3A_1138], %swap3A_1141 {strides = array<i32>} : memref<8x128xi32, #tpu.memory_space<vmem>>, vector<1x16xi32>,
        %add3A_1142 = arith.constant 48 : i32
        %add3A_1143 = vector.broadcast %add3A_1142 : i32 to vector<16xi32>
        %add3A_1144 = arith.addi %get3A_1087, %add3A_1143 : vector<16xi32>
        %swap3A_1145 = arith.constant 6 : i32
        %swap3A_1146 = arith.index_cast %swap3A_1145 : i32 to index
        %swap3A_1147 = arith.constant 32 : index
        %swap3A_1148 = tpu.vector_load %arg8[%swap3A_1146, %swap3A_1147] {strides = array<i32>} : memref<8x128xi32, #tpu.memory_space<vmem>>, vector<1x16xi32>,
        %swap3A_1149 = vector.shape_cast %swap3A_1148 : vector<1x16xi32> to vector<16xi32>
        %swap3A_1150 = vector.shape_cast %add3A_1144 : vector<16xi32> to vector<1x16xi32>
        tpu.vector_store %arg8[%swap3A_1146, %swap3A_1147], %swap3A_1150 {strides = array<i32>} : memref<8x128xi32, #tpu.memory_space<vmem>>, vector<1x16xi32>,
        %add3A_1151 = arith.constant 56 : i32
        %add3A_1152 = vector.broadcast %add3A_1151 : i32 to vector<16xi32>
        %add3A_1153 = arith.addi %get3A_1087, %add3A_1152 : vector<16xi32>
        %swap3A_1154 = arith.constant 7 : i32
        %swap3A_1155 = arith.index_cast %swap3A_1154 : i32 to index
        %swap3A_1156 = arith.constant 32 : index
        %swap3A_1157 = tpu.vector_load %arg8[%swap3A_1155, %swap3A_1156] {strides = array<i32>} : memref<8x128xi32, #tpu.memory_space<vmem>>, vector<1x16xi32>,
        %swap3A_1158 = vector.shape_cast %swap3A_1157 : vector<1x16xi32> to vector<16xi32>
        %swap3A_1159 = vector.shape_cast %add3A_1153 : vector<16xi32> to vector<1x16xi32>
        tpu.vector_store %arg8[%swap3A_1155, %swap3A_1156], %swap3A_1159 {strides = array<i32>} : memref<8x128xi32, #tpu.memory_space<vmem>>, vector<1x16xi32>,
        %dma_start3A_1160 = arith.constant 0 : i32
        %dma_start3A_1161 = arith.constant 0 : i32
        %dma_start3A_1162 = arith.constant 0 : i32
        %dma_start3A_1163 = tpu.memref_slice %arg6[%dma_start3A_1161, %dma_start3A_1162] : memref<40x1000xf32, #tpu.memory_space<vmem>> -> memref<40x128xf32, #tpu.memory_space<vmem>>
        %dma_start3A_1164 = arith.constant 0 : i32
        %dma_start3A_1165 = tpu.memref_slice %arg8[%dma_start3A_1160, %dma_start3A_1164] : memref<8x128xi32, #tpu.memory_space<vmem>> -> memref<1x40xi32, #tpu.memory_space<vmem>>
        %dma_start3A_1166 = tpu.memref_squeeze %dma_start3A_1165 : memref<1x40xi32, #tpu.memory_space<vmem>> -> memref<40xi32, #tpu.memory_space<vmem>>
        %dma_start3A_1167 = arith.constant 0 : i32
        %dma_start3A_1168 = arith.constant 0 : i32
        %dma_start3A_1169 = tpu.memref_slice %arg3[%dma_start3A_1167, %dma_start3A_1168] : memref<8000x128xf32, #tpu.memory_space<hbm>> -> memref<8000x128xf32, #tpu.memory_space<hbm>>
        tpu.enqueue_indirect_dma source(%dma_start3A_1169 : memref<8000x128xf32, #tpu.memory_space<hbm>>) target(%dma_start3A_1163 : memref<40x128xf32, #tpu.memory_space<vmem>>) offsets(%dma_start3A_1166 : memref<40xi32, #tpu.memory_space<vmem>>) semaphore(%arg10 : memref<!tpu.dma_semaphore, #tpu.memory_space<semaphore_mem>>)
        %dma_start3A_1170 = arith.constant 1 : i32
        %dma_start3A_1171 = arith.constant 0 : i32
        %dma_start3A_1172 = arith.constant 128 : i32
        %dma_start3A_1173 = tpu.memref_slice %arg6[%dma_start3A_1171, %dma_start3A_1172] : memref<40x1000xf32, #tpu.memory_space<vmem>> -> memref<40x128xf32, #tpu.memory_space<vmem>>
        %dma_start3A_1174 = arith.constant 0 : i32
        %dma_start3A_1175 = tpu.memref_slice %arg8[%dma_start3A_1170, %dma_start3A_1174] : memref<8x128xi32, #tpu.memory_space<vmem>> -> memref<1x40xi32, #tpu.memory_space<vmem>>
        %dma_start3A_1176 = tpu.memref_squeeze %dma_start3A_1175 : memref<1x40xi32, #tpu.memory_space<vmem>> -> memref<40xi32, #tpu.memory_space<vmem>>
        %dma_start3A_1177 = arith.constant 0 : i32
        %dma_start3A_1178 = arith.constant 0 : i32
        %dma_start3A_1179 = tpu.memref_slice %arg3[%dma_start3A_1177, %dma_start3A_1178] : memref<8000x128xf32, #tpu.memory_space<hbm>> -> memref<8000x128xf32, #tpu.memory_space<hbm>>
        tpu.enqueue_indirect_dma source(%dma_start3A_1179 : memref<8000x128xf32, #tpu.memory_space<hbm>>) target(%dma_start3A_1173 : memref<40x128xf32, #tpu.memory_space<vmem>>) offsets(%dma_start3A_1176 : memref<40xi32, #tpu.memory_space<vmem>>) semaphore(%arg10 : memref<!tpu.dma_semaphore, #tpu.memory_space<semaphore_mem>>)
        %dma_start3A_1180 = arith.constant 2 : i32
        %dma_start3A_1181 = arith.constant 0 : i32
        %dma_start3A_1182 = arith.constant 256 : i32
        %dma_start3A_1183 = tpu.memref_slice %arg6[%dma_start3A_1181, %dma_start3A_1182] : memref<40x1000xf32, #tpu.memory_space<vmem>> -> memref<40x128xf32, #tpu.memory_space<vmem>>
        %dma_start3A_1184 = arith.constant 0 : i32
        %dma_start3A_1185 = tpu.memref_slice %arg8[%dma_start3A_1180, %dma_start3A_1184] : memref<8x128xi32, #tpu.memory_space<vmem>> -> memref<1x40xi32, #tpu.memory_space<vmem>>
        %dma_start3A_1186 = tpu.memref_squeeze %dma_start3A_1185 : memref<1x40xi32, #tpu.memory_space<vmem>> -> memref<40xi32, #tpu.memory_space<vmem>>
        %dma_start3A_1187 = arith.constant 0 : i32
        %dma_start3A_1188 = arith.constant 0 : i32
        %dma_start3A_1189 = tpu.memref_slice %arg3[%dma_start3A_1187, %dma_start3A_1188] : memref<8000x128xf32, #tpu.memory_space<hbm>> -> memref<8000x128xf32, #tpu.memory_space<hbm>>
        tpu.enqueue_indirect_dma source(%dma_start3A_1189 : memref<8000x128xf32, #tpu.memory_space<hbm>>) target(%dma_start3A_1183 : memref<40x128xf32, #tpu.memory_space<vmem>>) offsets(%dma_start3A_1186 : memref<40xi32, #tpu.memory_space<vmem>>) semaphore(%arg10 : memref<!tpu.dma_semaphore, #tpu.memory_space<semaphore_mem>>)
        %dma_start3A_1190 = arith.constant 3 : i32
        %dma_start3A_1191 = arith.constant 0 : i32
        %dma_start3A_1192 = arith.constant 384 : i32
        %dma_start3A_1193 = tpu.memref_slice %arg6[%dma_start3A_1191, %dma_start3A_1192] : memref<40x1000xf32, #tpu.memory_space<vmem>> -> memref<40x128xf32, #tpu.memory_space<vmem>>
        %dma_start3A_1194 = arith.constant 0 : i32
        %dma_start3A_1195 = tpu.memref_slice %arg8[%dma_start3A_1190, %dma_start3A_1194] : memref<8x128xi32, #tpu.memory_space<vmem>> -> memref<1x40xi32, #tpu.memory_space<vmem>>
        %dma_start3A_1196 = tpu.memref_squeeze %dma_start3A_1195 : memref<1x40xi32, #tpu.memory_space<vmem>> -> memref<40xi32, #tpu.memory_space<vmem>>
        %dma_start3A_1197 = arith.constant 0 : i32
        %dma_start3A_1198 = arith.constant 0 : i32
        %dma_start3A_1199 = tpu.memref_slice %arg3[%dma_start3A_1197, %dma_start3A_1198] : memref<8000x128xf32, #tpu.memory_space<hbm>> -> memref<8000x128xf32, #tpu.memory_space<hbm>>
        tpu.enqueue_indirect_dma source(%dma_start3A_1199 : memref<8000x128xf32, #tpu.memory_space<hbm>>) target(%dma_start3A_1193 : memref<40x128xf32, #tpu.memory_space<vmem>>) offsets(%dma_start3A_1196 : memref<40xi32, #tpu.memory_space<vmem>>) semaphore(%arg10 : memref<!tpu.dma_semaphore, #tpu.memory_space<semaphore_mem>>)
        %dma_start3A_1200 = arith.constant 4 : i32
        %dma_start3A_1201 = arith.constant 0 : i32
        %dma_start3A_1202 = arith.constant 512 : i32
        %dma_start3A_1203 = tpu.memref_slice %arg6[%dma_start3A_1201, %dma_start3A_1202] : memref<40x1000xf32, #tpu.memory_space<vmem>> -> memref<40x128xf32, #tpu.memory_space<vmem>>
        %dma_start3A_1204 = arith.constant 0 : i32
        %dma_start3A_1205 = tpu.memref_slice %arg8[%dma_start3A_1200, %dma_start3A_1204] : memref<8x128xi32, #tpu.memory_space<vmem>> -> memref<1x40xi32, #tpu.memory_space<vmem>>
        %dma_start3A_1206 = tpu.memref_squeeze %dma_start3A_1205 : memref<1x40xi32, #tpu.memory_space<vmem>> -> memref<40xi32, #tpu.memory_space<vmem>>
        %dma_start3A_1207 = arith.constant 0 : i32
        %dma_start3A_1208 = arith.constant 0 : i32
        %dma_start3A_1209 = tpu.memref_slice %arg3[%dma_start3A_1207, %dma_start3A_1208] : memref<8000x128xf32, #tpu.memory_space<hbm>> -> memref<8000x128xf32, #tpu.memory_space<hbm>>
        tpu.enqueue_indirect_dma source(%dma_start3A_1209 : memref<8000x128xf32, #tpu.memory_space<hbm>>) target(%dma_start3A_1203 : memref<40x128xf32, #tpu.memory_space<vmem>>) offsets(%dma_start3A_1206 : memref<40xi32, #tpu.memory_space<vmem>>) semaphore(%arg10 : memref<!tpu.dma_semaphore, #tpu.memory_space<semaphore_mem>>)
        %dma_start3A_1210 = arith.constant 5 : i32
        %dma_start3A_1211 = arith.constant 0 : i32
        %dma_start3A_1212 = arith.constant 640 : i32
        %dma_start3A_1213 = tpu.memref_slice %arg6[%dma_start3A_1211, %dma_start3A_1212] : memref<40x1000xf32, #tpu.memory_space<vmem>> -> memref<40x128xf32, #tpu.memory_space<vmem>>
        %dma_start3A_1214 = arith.constant 0 : i32
        %dma_start3A_1215 = tpu.memref_slice %arg8[%dma_start3A_1210, %dma_start3A_1214] : memref<8x128xi32, #tpu.memory_space<vmem>> -> memref<1x40xi32, #tpu.memory_space<vmem>>
        %dma_start3A_1216 = tpu.memref_squeeze %dma_start3A_1215 : memref<1x40xi32, #tpu.memory_space<vmem>> -> memref<40xi32, #tpu.memory_space<vmem>>
        %dma_start3A_1217 = arith.constant 0 : i32
        %dma_start3A_1218 = arith.constant 0 : i32
        %dma_start3A_1219 = tpu.memref_slice %arg3[%dma_start3A_1217, %dma_start3A_1218] : memref<8000x128xf32, #tpu.memory_space<hbm>> -> memref<8000x128xf32, #tpu.memory_space<hbm>>
        tpu.enqueue_indirect_dma source(%dma_start3A_1219 : memref<8000x128xf32, #tpu.memory_space<hbm>>) target(%dma_start3A_1213 : memref<40x128xf32, #tpu.memory_space<vmem>>) offsets(%dma_start3A_1216 : memref<40xi32, #tpu.memory_space<vmem>>) semaphore(%arg10 : memref<!tpu.dma_semaphore, #tpu.memory_space<semaphore_mem>>)
        %dma_start3A_1220 = arith.constant 6 : i32
        %dma_start3A_1221 = arith.constant 0 : i32
        %dma_start3A_1222 = arith.constant 768 : i32
        %dma_start3A_1223 = tpu.memref_slice %arg6[%dma_start3A_1221, %dma_start3A_1222] : memref<40x1000xf32, #tpu.memory_space<vmem>> -> memref<40x128xf32, #tpu.memory_space<vmem>>
        %dma_start3A_1224 = arith.constant 0 : i32
        %dma_start3A_1225 = tpu.memref_slice %arg8[%dma_start3A_1220, %dma_start3A_1224] : memref<8x128xi32, #tpu.memory_space<vmem>> -> memref<1x40xi32, #tpu.memory_space<vmem>>
        %dma_start3A_1226 = tpu.memref_squeeze %dma_start3A_1225 : memref<1x40xi32, #tpu.memory_space<vmem>> -> memref<40xi32, #tpu.memory_space<vmem>>
        %dma_start3A_1227 = arith.constant 0 : i32
        %dma_start3A_1228 = arith.constant 0 : i32
        %dma_start3A_1229 = tpu.memref_slice %arg3[%dma_start3A_1227, %dma_start3A_1228] : memref<8000x128xf32, #tpu.memory_space<hbm>> -> memref<8000x128xf32, #tpu.memory_space<hbm>>
        tpu.enqueue_indirect_dma source(%dma_start3A_1229 : memref<8000x128xf32, #tpu.memory_space<hbm>>) target(%dma_start3A_1223 : memref<40x128xf32, #tpu.memory_space<vmem>>) offsets(%dma_start3A_1226 : memref<40xi32, #tpu.memory_space<vmem>>) semaphore(%arg10 : memref<!tpu.dma_semaphore, #tpu.memory_space<semaphore_mem>>)
        %mul3A_1230 = arith.constant 0 : i32
        %mul3A_1231 = arith.muli %add3A, %mul3A_1230 : i32
        %add3A_1232 = arith.constant 896 : i32
        %add3A_1233 = arith.addi %add3A_1232, %mul3A_1231 : i32
        %multiple_of3A_1234 = tpu.assume_multiple %add3A_1233, 128 : i32
        %dma_start3A_1235 = arith.constant 7 : i32
        %dma_start3A_1236 = arith.constant 0 : i32
        %dma_start3A_1237 = tpu.memref_slice %arg6[%dma_start3A_1236, %multiple_of3A_1234] : memref<40x1000xf32, #tpu.memory_space<vmem>> -> memref<40x128xf32, #tpu.memory_space<vmem>>
        %dma_start3A_1238 = arith.constant 0 : i32
        %dma_start3A_1239 = tpu.memref_slice %arg8[%dma_start3A_1235, %dma_start3A_1238] : memref<8x128xi32, #tpu.memory_space<vmem>> -> memref<1x40xi32, #tpu.memory_space<vmem>>
        %dma_start3A_1240 = tpu.memref_squeeze %dma_start3A_1239 : memref<1x40xi32, #tpu.memory_space<vmem>> -> memref<40xi32, #tpu.memory_space<vmem>>
        %dma_start3A_1241 = arith.constant 0 : i32
        %dma_start3A_1242 = arith.constant 0 : i32
        %dma_start3A_1243 = tpu.memref_slice %arg3[%dma_start3A_1241, %dma_start3A_1242] : memref<8000x128xf32, #tpu.memory_space<hbm>> -> memref<8000x128xf32, #tpu.memory_space<hbm>>
        tpu.enqueue_indirect_dma source(%dma_start3A_1243 : memref<8000x128xf32, #tpu.memory_space<hbm>>) target(%dma_start3A_1237 : memref<40x128xf32, #tpu.memory_space<vmem>>) offsets(%dma_start3A_1240 : memref<40xi32, #tpu.memory_space<vmem>>) semaphore(%arg10 : memref<!tpu.dma_semaphore, #tpu.memory_space<semaphore_mem>>)
      } else {
      }
      %dma_wait3A_780 = arith.constant 0 : i32
      %dma_wait3A_781 = arith.constant 0 : i32
      %dma_wait3A_782 = tpu.memref_slice %arg7[%dma_wait3A_780, %dma_wait3A_781] : memref<40x1000xf32, #tpu.memory_space<vmem>> -> memref<40x128xf32, #tpu.memory_space<vmem>>
      %dma_wait3A_783 = arith.constant 0 : i32
      %dma_wait3A_784 = arith.constant 0 : i32
      %dma_wait3A_785 = tpu.memref_slice %arg3[%dma_wait3A_783, %dma_wait3A_784] : memref<8000x128xf32, #tpu.memory_space<hbm>> -> memref<40x128xf32, #tpu.memory_space<hbm>>
      %dma_wait3A_786 = arith.constant 0 : i32
      %dma_wait3A_787 = arith.constant 0 : i32
      %dma_wait3A_788 = tpu.memref_slice %arg7[%dma_wait3A_786, %dma_wait3A_787] : memref<40x1000xf32, #tpu.memory_space<vmem>> -> memref<40x128xf32, #tpu.memory_space<vmem>>
      %dma_wait3A_789 = arith.constant 0 : i32
      %dma_wait3A_790 = arith.constant 0 : i32
      %dma_wait3A_791 = tpu.memref_slice %arg3[%dma_wait3A_789, %dma_wait3A_790] : memref<8000x128xf32, #tpu.memory_space<hbm>> -> memref<40x128xf32, #tpu.memory_space<hbm>>
      tpu.wait_dma2 semaphore(%arg11 : memref<!tpu.dma_semaphore, #tpu.memory_space<semaphore_mem>>) src(%dma_wait3A_791 : memref<40x128xf32, #tpu.memory_space<hbm>>) dst(%dma_wait3A_788 : memref<40x128xf32, #tpu.memory_space<vmem>>)
      %dma_wait3A_792 = arith.constant 0 : i32
      %dma_wait3A_793 = arith.constant 0 : i32
      %dma_wait3A_794 = tpu.memref_slice %arg7[%dma_wait3A_792, %dma_wait3A_793] : memref<40x1000xf32, #tpu.memory_space<vmem>> -> memref<40x128xf32, #tpu.memory_space<vmem>>
      %dma_wait3A_795 = arith.constant 0 : i32
      %dma_wait3A_796 = arith.constant 0 : i32
      %dma_wait3A_797 = tpu.memref_slice %arg3[%dma_wait3A_795, %dma_wait3A_796] : memref<8000x128xf32, #tpu.memory_space<hbm>> -> memref<40x128xf32, #tpu.memory_space<hbm>>
      %dma_wait3A_798 = arith.constant 0 : i32
      %dma_wait3A_799 = arith.constant 0 : i32
      %dma_wait3A_800 = tpu.memref_slice %arg7[%dma_wait3A_798, %dma_wait3A_799] : memref<40x1000xf32, #tpu.memory_space<vmem>> -> memref<40x128xf32, #tpu.memory_space<vmem>>
      %dma_wait3A_801 = arith.constant 0 : i32
      %dma_wait3A_802 = arith.constant 0 : i32
      %dma_wait3A_803 = tpu.memref_slice %arg3[%dma_wait3A_801, %dma_wait3A_802] : memref<8000x128xf32, #tpu.memory_space<hbm>> -> memref<40x128xf32, #tpu.memory_space<hbm>>
      tpu.wait_dma2 semaphore(%arg11 : memref<!tpu.dma_semaphore, #tpu.memory_space<semaphore_mem>>) src(%dma_wait3A_803 : memref<40x128xf32, #tpu.memory_space<hbm>>) dst(%dma_wait3A_800 : memref<40x128xf32, #tpu.memory_space<vmem>>)
      %dma_wait3A_804 = arith.constant 0 : i32
      %dma_wait3A_805 = arith.constant 0 : i32
      %dma_wait3A_806 = tpu.memref_slice %arg7[%dma_wait3A_804, %dma_wait3A_805] : memref<40x1000xf32, #tpu.memory_space<vmem>> -> memref<40x128xf32, #tpu.memory_space<vmem>>
      %dma_wait3A_807 = arith.constant 0 : i32
      %dma_wait3A_808 = arith.constant 0 : i32
      %dma_wait3A_809 = tpu.memref_slice %arg3[%dma_wait3A_807, %dma_wait3A_808] : memref<8000x128xf32, #tpu.memory_space<hbm>> -> memref<40x128xf32, #tpu.memory_space<hbm>>
      %dma_wait3A_810 = arith.constant 0 : i32
      %dma_wait3A_811 = arith.constant 0 : i32
      %dma_wait3A_812 = tpu.memref_slice %arg7[%dma_wait3A_810, %dma_wait3A_811] : memref<40x1000xf32, #tpu.memory_space<vmem>> -> memref<40x128xf32, #tpu.memory_space<vmem>>
      %dma_wait3A_813 = arith.constant 0 : i32
      %dma_wait3A_814 = arith.constant 0 : i32
      %dma_wait3A_815 = tpu.memref_slice %arg3[%dma_wait3A_813, %dma_wait3A_814] : memref<8000x128xf32, #tpu.memory_space<hbm>> -> memref<40x128xf32, #tpu.memory_space<hbm>>
      tpu.wait_dma2 semaphore(%arg11 : memref<!tpu.dma_semaphore, #tpu.memory_space<semaphore_mem>>) src(%dma_wait3A_815 : memref<40x128xf32, #tpu.memory_space<hbm>>) dst(%dma_wait3A_812 : memref<40x128xf32, #tpu.memory_space<vmem>>)
      %dma_wait3A_816 = arith.constant 0 : i32
      %dma_wait3A_817 = arith.constant 0 : i32
      %dma_wait3A_818 = tpu.memref_slice %arg7[%dma_wait3A_816, %dma_wait3A_817] : memref<40x1000xf32, #tpu.memory_space<vmem>> -> memref<40x128xf32, #tpu.memory_space<vmem>>
      %dma_wait3A_819 = arith.constant 0 : i32
      %dma_wait3A_820 = arith.constant 0 : i32
      %dma_wait3A_821 = tpu.memref_slice %arg3[%dma_wait3A_819, %dma_wait3A_820] : memref<8000x128xf32, #tpu.memory_space<hbm>> -> memref<40x128xf32, #tpu.memory_space<hbm>>
      %dma_wait3A_822 = arith.constant 0 : i32
      %dma_wait3A_823 = arith.constant 0 : i32
      %dma_wait3A_824 = tpu.memref_slice %arg7[%dma_wait3A_822, %dma_wait3A_823] : memref<40x1000xf32, #tpu.memory_space<vmem>> -> memref<40x128xf32, #tpu.memory_space<vmem>>
      %dma_wait3A_825 = arith.constant 0 : i32
      %dma_wait3A_826 = arith.constant 0 : i32
      %dma_wait3A_827 = tpu.memref_slice %arg3[%dma_wait3A_825, %dma_wait3A_826] : memref<8000x128xf32, #tpu.memory_space<hbm>> -> memref<40x128xf32, #tpu.memory_space<hbm>>
      tpu.wait_dma2 semaphore(%arg11 : memref<!tpu.dma_semaphore, #tpu.memory_space<semaphore_mem>>) src(%dma_wait3A_827 : memref<40x128xf32, #tpu.memory_space<hbm>>) dst(%dma_wait3A_824 : memref<40x128xf32, #tpu.memory_space<vmem>>)
      %dma_wait3A_828 = arith.constant 0 : i32
      %dma_wait3A_829 = arith.constant 0 : i32
      %dma_wait3A_830 = tpu.memref_slice %arg7[%dma_wait3A_828, %dma_wait3A_829] : memref<40x1000xf32, #tpu.memory_space<vmem>> -> memref<40x128xf32, #tpu.memory_space<vmem>>
      %dma_wait3A_831 = arith.constant 0 : i32
      %dma_wait3A_832 = arith.constant 0 : i32
      %dma_wait3A_833 = tpu.memref_slice %arg3[%dma_wait3A_831, %dma_wait3A_832] : memref<8000x128xf32, #tpu.memory_space<hbm>> -> memref<40x128xf32, #tpu.memory_space<hbm>>
      %dma_wait3A_834 = arith.constant 0 : i32
      %dma_wait3A_835 = arith.constant 0 : i32
      %dma_wait3A_836 = tpu.memref_slice %arg7[%dma_wait3A_834, %dma_wait3A_835] : memref<40x1000xf32, #tpu.memory_space<vmem>> -> memref<40x128xf32, #tpu.memory_space<vmem>>
      %dma_wait3A_837 = arith.constant 0 : i32
      %dma_wait3A_838 = arith.constant 0 : i32
      %dma_wait3A_839 = tpu.memref_slice %arg3[%dma_wait3A_837, %dma_wait3A_838] : memref<8000x128xf32, #tpu.memory_space<hbm>> -> memref<40x128xf32, #tpu.memory_space<hbm>>
      tpu.wait_dma2 semaphore(%arg11 : memref<!tpu.dma_semaphore, #tpu.memory_space<semaphore_mem>>) src(%dma_wait3A_839 : memref<40x128xf32, #tpu.memory_space<hbm>>) dst(%dma_wait3A_836 : memref<40x128xf32, #tpu.memory_space<vmem>>)
      %dma_wait3A_840 = arith.constant 0 : i32
      %dma_wait3A_841 = arith.constant 0 : i32
      %dma_wait3A_842 = tpu.memref_slice %arg7[%dma_wait3A_840, %dma_wait3A_841] : memref<40x1000xf32, #tpu.memory_space<vmem>> -> memref<40x128xf32, #tpu.memory_space<vmem>>
      %dma_wait3A_843 = arith.constant 0 : i32
      %dma_wait3A_844 = arith.constant 0 : i32
      %dma_wait3A_845 = tpu.memref_slice %arg3[%dma_wait3A_843, %dma_wait3A_844] : memref<8000x128xf32, #tpu.memory_space<hbm>> -> memref<40x128xf32, #tpu.memory_space<hbm>>
      %dma_wait3A_846 = arith.constant 0 : i32
      %dma_wait3A_847 = arith.constant 0 : i32
      %dma_wait3A_848 = tpu.memref_slice %arg7[%dma_wait3A_846, %dma_wait3A_847] : memref<40x1000xf32, #tpu.memory_space<vmem>> -> memref<40x128xf32, #tpu.memory_space<vmem>>
      %dma_wait3A_849 = arith.constant 0 : i32
      %dma_wait3A_850 = arith.constant 0 : i32
      %dma_wait3A_851 = tpu.memref_slice %arg3[%dma_wait3A_849, %dma_wait3A_850] : memref<8000x128xf32, #tpu.memory_space<hbm>> -> memref<40x128xf32, #tpu.memory_space<hbm>>
      tpu.wait_dma2 semaphore(%arg11 : memref<!tpu.dma_semaphore, #tpu.memory_space<semaphore_mem>>) src(%dma_wait3A_851 : memref<40x128xf32, #tpu.memory_space<hbm>>) dst(%dma_wait3A_848 : memref<40x128xf32, #tpu.memory_space<vmem>>)
      %dma_wait3A_852 = arith.constant 0 : i32
      %dma_wait3A_853 = arith.constant 0 : i32
      %dma_wait3A_854 = tpu.memref_slice %arg7[%dma_wait3A_852, %dma_wait3A_853] : memref<40x1000xf32, #tpu.memory_space<vmem>> -> memref<40x128xf32, #tpu.memory_space<vmem>>
      %dma_wait3A_855 = arith.constant 0 : i32
      %dma_wait3A_856 = arith.constant 0 : i32
      %dma_wait3A_857 = tpu.memref_slice %arg3[%dma_wait3A_855, %dma_wait3A_856] : memref<8000x128xf32, #tpu.memory_space<hbm>> -> memref<40x128xf32, #tpu.memory_space<hbm>>
      %dma_wait3A_858 = arith.constant 0 : i32
      %dma_wait3A_859 = arith.constant 0 : i32
      %dma_wait3A_860 = tpu.memref_slice %arg7[%dma_wait3A_858, %dma_wait3A_859] : memref<40x1000xf32, #tpu.memory_space<vmem>> -> memref<40x128xf32, #tpu.memory_space<vmem>>
      %dma_wait3A_861 = arith.constant 0 : i32
      %dma_wait3A_862 = arith.constant 0 : i32
      %dma_wait3A_863 = tpu.memref_slice %arg3[%dma_wait3A_861, %dma_wait3A_862] : memref<8000x128xf32, #tpu.memory_space<hbm>> -> memref<40x128xf32, #tpu.memory_space<hbm>>
      tpu.wait_dma2 semaphore(%arg11 : memref<!tpu.dma_semaphore, #tpu.memory_space<semaphore_mem>>) src(%dma_wait3A_863 : memref<40x128xf32, #tpu.memory_space<hbm>>) dst(%dma_wait3A_860 : memref<40x128xf32, #tpu.memory_space<vmem>>)
      %dma_wait3A_864 = arith.constant 0 : i32
      %dma_wait3A_865 = arith.constant 0 : i32
      %dma_wait3A_866 = tpu.memref_slice %arg7[%dma_wait3A_864, %dma_wait3A_865] : memref<40x1000xf32, #tpu.memory_space<vmem>> -> memref<40x128xf32, #tpu.memory_space<vmem>>
      %dma_wait3A_867 = arith.constant 0 : i32
      %dma_wait3A_868 = arith.constant 0 : i32
      %dma_wait3A_869 = tpu.memref_slice %arg3[%dma_wait3A_867, %dma_wait3A_868] : memref<8000x128xf32, #tpu.memory_space<hbm>> -> memref<40x128xf32, #tpu.memory_space<hbm>>
      %dma_wait3A_870 = arith.constant 0 : i32
      %dma_wait3A_871 = arith.constant 0 : i32
      %dma_wait3A_872 = tpu.memref_slice %arg7[%dma_wait3A_870, %dma_wait3A_871] : memref<40x1000xf32, #tpu.memory_space<vmem>> -> memref<40x128xf32, #tpu.memory_space<vmem>>
      %dma_wait3A_873 = arith.constant 0 : i32
      %dma_wait3A_874 = arith.constant 0 : i32
      %dma_wait3A_875 = tpu.memref_slice %arg3[%dma_wait3A_873, %dma_wait3A_874] : memref<8000x128xf32, #tpu.memory_space<hbm>> -> memref<40x128xf32, #tpu.memory_space<hbm>>
      tpu.wait_dma2 semaphore(%arg11 : memref<!tpu.dma_semaphore, #tpu.memory_space<semaphore_mem>>) src(%dma_wait3A_875 : memref<40x128xf32, #tpu.memory_space<hbm>>) dst(%dma_wait3A_872 : memref<40x128xf32, #tpu.memory_space<vmem>>)
      %add3A_876 = arith.constant 1 : i32
      %add3A_877 = arith.addi %add3A_323, %add3A_876 : i32
      %jit3A_878 = arith.constant 5 : i32
      %div3A_879 = arith.divsi %add3A_877, %jit3A_878 : i32
      %sign3A_880 = arith.constant 0 : i32
      %sign3A_881 = arith.cmpi sgt, %add3A_877, %sign3A_880 : i32
      %sign3A_882 = arith.extui %sign3A_881 : i1 to i32
      %sign3A_883 = arith.constant 0 : i32
      %sign3A_884 = arith.cmpi slt, %add3A_877, %sign3A_883 : i32
      %sign3A_885 = arith.extui %sign3A_884 : i1 to i32
      %sign3A_886 = arith.subi %sign3A_882, %sign3A_885 : i32
      %sign3A_887 = arith.constant 0 : i32
      %sign3A_888 = arith.cmpi sgt, %jit3A_878, %sign3A_887 : i32
      %sign3A_889 = arith.extui %sign3A_888 : i1 to i32
      %sign3A_890 = arith.constant 0 : i32
      %sign3A_891 = arith.cmpi slt, %jit3A_878, %sign3A_890 : i32
      %sign3A_892 = arith.extui %sign3A_891 : i1 to i32
      %sign3A_893 = arith.subi %sign3A_889, %sign3A_892 : i32
      %ne3A_894 = arith.cmpi ne, %sign3A_886, %sign3A_893 : i32
      %rem3A_895 = arith.remsi %add3A_877, %jit3A_878 : i32
      %ne3A_896 = arith.constant 0 : i32
      %ne3A_897 = arith.cmpi ne, %rem3A_895, %ne3A_896 : i32
      %and3A_898 = arith.andi %ne3A_894, %ne3A_897 : i1
      %sub3A_899 = arith.constant 1 : i32
      %sub3A_900 = arith.subi %div3A_879, %sub3A_899 : i32
      %select_n3A_901 = arith.select %and3A_898, %sub3A_900, %div3A_879 : i32
      %add3A_902 = arith.addi %mul3A_4, %select_n3A_901 : i32
      %jit3A_903 = arith.constant 5 : i32
      %eq3A_904 = arith.constant 0 : i32
      %eq3A_905 = arith.cmpi eq, %jit3A_903, %eq3A_904 : i32
      %jit3A_906 = arith.constant 1 : i32
      %select_n3A_907 = arith.select %eq3A_905, %jit3A_906, %jit3A_903 : i32
      %rem3A_908 = arith.remsi %add3A_877, %select_n3A_907 : i32
      %ne3A_909 = arith.constant 0 : i32
      %ne3A_910 = arith.cmpi ne, %rem3A_908, %ne3A_909 : i32
      %lt3A_911 = arith.constant 0 : i32
      %lt3A_912 = arith.cmpi slt, %rem3A_908, %lt3A_911 : i32
      %lt3A_913 = arith.constant 0 : i32
      %lt3A_914 = arith.cmpi slt, %select_n3A_907, %lt3A_913 : i32
      %ne3A_915 = arith.xori %lt3A_912, %lt3A_914 : i1
      %and3A_916 = arith.andi %ne3A_915, %ne3A_910 : i1
      %add3A_917 = arith.addi %rem3A_908, %select_n3A_907 : i32
      %select_n3A_918 = arith.select %and3A_916, %add3A_917, %rem3A_908 : i32
      %mul3A_919 = arith.constant 40 : i32
      %mul3A_920 = arith.muli %select_n3A_918, %mul3A_919 : i32
      "tpu.region"() ({
        %run_scoped3A = tpu.sem_alloc : memref<!tpu.dma_semaphore, #tpu.memory_space<semaphore_mem>>
        %dma_start3A_921 = arith.constant 0 : i32
        %dma_start3A_922 = arith.constant 0 : i32
        %dma_start3A_923 = tpu.memref_slice %arg4[%add3A_902, %dma_start3A_921, %dma_start3A_922] : memref<1024x200x1000xf32, #tpu.memory_space<hbm>> -> memref<1x200x1000xf32, #tpu.memory_space<hbm>>
        %dma_start3A_924 = tpu.memref_squeeze %dma_start3A_923 : memref<1x200x1000xf32, #tpu.memory_space<hbm>> -> memref<200x1000xf32, #tpu.memory_space<hbm>>
        %dma_start3A_925 = arith.constant 0 : i32
        %dma_start3A_926 = tpu.memref_slice %dma_start3A_924[%mul3A_920, %dma_start3A_925] : memref<200x1000xf32, #tpu.memory_space<hbm>> -> memref<40x1000xf32, #tpu.memory_space<hbm>>
        %dma_start3A_927 = arith.constant 0 : i32
        %dma_start3A_928 = arith.constant 0 : i32
        %dma_start3A_929 = tpu.memref_slice %arg4[%add3A_902, %dma_start3A_927, %dma_start3A_928] : memref<1024x200x1000xf32, #tpu.memory_space<hbm>> -> memref<1x200x1000xf32, #tpu.memory_space<hbm>>
        %dma_start3A_930 = tpu.memref_squeeze %dma_start3A_929 : memref<1x200x1000xf32, #tpu.memory_space<hbm>> -> memref<200x1000xf32, #tpu.memory_space<hbm>>
        %dma_start3A_931 = arith.constant 0 : i32
        %dma_start3A_932 = tpu.memref_slice %dma_start3A_930[%mul3A_920, %dma_start3A_931] : memref<200x1000xf32, #tpu.memory_space<hbm>> -> memref<40x1000xf32, #tpu.memory_space<hbm>>
        tpu.enqueue_dma source(%arg7 : memref<40x1000xf32, #tpu.memory_space<vmem>>) target(%dma_start3A_932 : memref<40x1000xf32, #tpu.memory_space<hbm>>) target_semaphore(%run_scoped3A : memref<!tpu.dma_semaphore, #tpu.memory_space<semaphore_mem>>)
        %dma_wait3A_933 = arith.constant 0 : i32
        %dma_wait3A_934 = arith.constant 0 : i32
        %dma_wait3A_935 = tpu.memref_slice %arg4[%add3A_902, %dma_wait3A_933, %dma_wait3A_934] : memref<1024x200x1000xf32, #tpu.memory_space<hbm>> -> memref<1x200x1000xf32, #tpu.memory_space<hbm>>
        %dma_wait3A_936 = tpu.memref_squeeze %dma_wait3A_935 : memref<1x200x1000xf32, #tpu.memory_space<hbm>> -> memref<200x1000xf32, #tpu.memory_space<hbm>>
        %dma_wait3A_937 = arith.constant 0 : i32
        %dma_wait3A_938 = tpu.memref_slice %dma_wait3A_936[%mul3A_920, %dma_wait3A_937] : memref<200x1000xf32, #tpu.memory_space<hbm>> -> memref<40x1000xf32, #tpu.memory_space<hbm>>
        %dma_wait3A_939 = arith.constant 0 : i32
        %dma_wait3A_940 = arith.constant 0 : i32
        %dma_wait3A_941 = tpu.memref_slice %arg4[%add3A_902, %dma_wait3A_939, %dma_wait3A_940] : memref<1024x200x1000xf32, #tpu.memory_space<hbm>> -> memref<1x200x1000xf32, #tpu.memory_space<hbm>>
        %dma_wait3A_942 = tpu.memref_squeeze %dma_wait3A_941 : memref<1x200x1000xf32, #tpu.memory_space<hbm>> -> memref<200x1000xf32, #tpu.memory_space<hbm>>
        %dma_wait3A_943 = arith.constant 0 : i32
        %dma_wait3A_944 = tpu.memref_slice %dma_wait3A_942[%mul3A_920, %dma_wait3A_943] : memref<200x1000xf32, #tpu.memory_space<hbm>> -> memref<40x1000xf32, #tpu.memory_space<hbm>>
        tpu.wait_dma2 semaphore(%run_scoped3A : memref<!tpu.dma_semaphore, #tpu.memory_space<semaphore_mem>>) src(%arg7 : memref<40x1000xf32, #tpu.memory_space<vmem>>) dst(%dma_wait3A_944 : memref<40x1000xf32, #tpu.memory_space<hbm>>)
        tpu.yield
      }) : () -> ()
    }
    %scan3A_318 = arith.constant 80 : i32
    return
  }
}

</mosaic_0001>

<sc_bundles>
// kernel: kernel.3.cloned.1.call-start
scs
__scs_entry_jumppad:
0x0: {  	(pc) =	sbr.rel $0x88, $3  }
0x1: {  	(tag) =	ssettag $0x0;
	lr =	simm.s32 $0x1  }
0x2: {  	[smem:$0x3F9F] =	sst lr;
	_ =	strace $0xD0000000  }
0x3: {  	_ = 	snop  }
0x4: {  	_ = 	snop  }
0x5: {  	_ = 	snop  }
0x6: {  	_ = 	snop  }
0x7: {  	_ = 	snop  }
__scs_overlays_trampoline_lowered:
0x8: {  	[smem:$0x3FAE] =	sst s0  }
0x9: {  	[smem:$0x3FAF] =	sst s1  }
0xa: {  	[smem:$0x3FB0] =	sst s2  }
0xb: {  	[smem:$0x3FB1] =	sst s3  }
0xc: {  	[smem:$0x3FB2] =	sst s4  }
0xd: {  	[smem:$0x3FB3] =	sst s5  }
0xe: {  	[smem:$0x3FB4] =	sst s6  }
0xf: {  	[smem:$0x3FB5] =	sst s7  }
0x10: {  	[smem:$0x3FB6] =	sst s8  }
0x11: {  	[smem:$0x3FB7] =	sst s9;
	s0 =	simm.s32 @!p0 $0x0  }
0x12: {  	s1 =	sld [smem:$0x3F9D];
	s0 =	simm.s32 @p0 $0x1  }
0x13: {  	[smem:$0x3FB8] =	sst s0;
	s0 =	simm.s32 @!p1 $0x0  }
0x14: {  	s2 =	sld [smem:$0x3F9C];
	s0 =	simm.s32 @p1 $0x1  }
0x15: {  	[smem:$0x3FB9] =	sst s0;
	s0 =	simm.s32 @!p2 $0x0  }
0x16: {  	s3 =	sld [smem:$0x3FDB];
	s0 =	simm.s32 @p2 $0x1  }
0x17: {  	s4 =	simm.s32 $0x1BF5;
	[smem:$0x3FBB] =	sst s0  }
0x18: {  	s0 =	sld [smem:$0x3F9E];
	_ =	swait.ge [sflag:s4], $0x0  }
0x19: {  	s7 =	sld [smem:$0x3F9F]  }
0x1a: {  	s8 =	sadd.s32 $0xFFFFE003, lr  }
0x1b: {  	s9 =	sadd.s32 $0xFFFFFEF7, lr;
	s5 =	simm.s32 $0xFFFFFFFF;
	p2 =	slt.u32 s8, $0xFFFFF086  }
0x1c: {  	p1 =	slt.u32 s9, $0xF7A;
	s5 =	simm.s32 @!p2 $0x0  }
0x1d: {  	s5 =	simm.s32 @p1 $0x1;
	p0 =	seq.s32 s7, s2  }
0x1e: {  	s7 =	smul.u32 @!p0 $0xF7A, s2;
	p2 =	seq.s32 @!p0 s5, $0x0  }
0x1f: {  	s9 =	smul.u32 $0xF7A, s1;
	s8 =	simm.s32 @!p0 $0x1BF5;
	p2 =	por !p2, p0  }
0x20: {  	[sflag:s8] =	ssyncset.s32 @!p0 $0xFFFFF086;
	s6 =	sadd.s32 @!p0 s3, s7;
	s7 =	simm.s32 @!p0 $0x108  }
0x21: {  	s3 =	sadd.s32 s3, s9;
	s6 =	sadd.s32 @!p0 $0x88, s6;
	s7 =	simm.s32 @p2 $0x1082  }
0x22: {  	[simem:s7], [sflag:s8] =	dma.local @!p0 [hbm:s6], $0xF7A  }
0x23: {  	s9 =	sor.u32 $0xD0000000, s2;
	s6 =	simm.s32 $0x108;
	_ =	swait.ge @!p0 [sflag:s8], $0x0  }
0x24: {  	s3 =	sadd.s32 $0x88, s3;
	s6 =	simm.s32 @!p1 $0x1082;
	[sflag:s4] =	ssyncset.s32 $0xFFFFF086  }
0x25: {  	[simem:s6], [sflag:s4] =	dma.local [hbm:s3], $0xF7A  }
0x26: {  	[smem:$0x3F9F] =	sst s1;
	(tag) =	ssettag s2;
	_ =	strace s9  }
0x27: {  	s1 =	sld [smem:$0x3FAF]  }
0x28: {  	s2 =	sld [smem:$0x3FB0]  }
0x29: {  	s4 =	sld [smem:$0x3FB2]  }
0x2a: {  	p0 =	seq.s32 s5, $0x0;
	s5 =	sld [smem:$0x3FB3]  }
0x2b: {  	s6 =	sld [smem:$0x3FB4]  }
0x2c: {  	s7 =	sld [smem:$0x3FB5]  }
0x2d: {  	s3 =	simm.s32 $0x108;
	s8 =	sld [smem:$0x3FB6]  }
0x2e: {  	s3 =	simm.s32 @!p0 $0x1082;
	s9 =	sld [smem:$0x3FB7]  }
0x2f: {  	lr =	sadd.s32 s0, s3;
	s0 =	sld [smem:$0x3FAE]  }
0x30: {  	s3 =	sld [smem:$0x3FB1]  }
0x31: {  	[smem:$0x3FBA] =	sst s10  }
0x32: {  	s10 =	sld [smem:$0x3FB8];
	_ =	sdelay $0x3  }
0x33: {  	p0 =	seq.s32 s10, $0x1;
	s10 =	sld [smem:$0x3FBA];
	_ =	sdelay $0x3  }
0x34: {  	[smem:$0x3FBA] =	sst s10  }
0x35: {  	s10 =	sld [smem:$0x3FB9];
	_ =	sdelay $0x3  }
0x36: {  	p1 =	seq.s32 s10, $0x1;
	s10 =	sld [smem:$0x3FBA];
	_ =	sdelay $0x3  }
0x37: {  	[smem:$0x3FBA] =	sst s10  }
0x38: {  	s10 =	sld [smem:$0x3FBB]  }
0x39: {  	_ = 	snop;
	(pc) =	sbr.ind lr, $3  }
0x3a: {  	_ = 	snop  }
0x3b: {  	_ = 	snop  }
0x3c: {  	p2 =	seq.s32 s10, $0x1;
	s10 =	sld [smem:$0x3FBA]  }
0x3d: {  	_ =	shalt  }
0x3e: {  	_ =	shalt  }
0x3f: {  	_ =	shalt  }
0x40: {  	_ =	shalt  }
0x41: {  	_ =	shalt  }
0x42: {  	_ =	shalt  }
0x43: {  	_ =	shalt  }
0x44: {  	_ =	shalt  }
0x45: {  	_ =	shalt  }
0x46: {  	_ =	shalt  }
0x47: {  	_ =	shalt  }
0x48: {  	_ =	shalt  }
0x49: {  	_ =	shalt  }
0x4a: {  	_ =	shalt  }
0x4b: {  	_ =	shalt  }
0x4c: {  	_ =	shalt  }
0x4d: {  	_ =	shalt  }
0x4e: {  	_ =	shalt  }
0x4f: {  	_ =	shalt  }
0x50: {  	_ =	shalt  }
0x51: {  	_ =	shalt  }
0x52: {  	_ =	shalt  }
0x53: {  	_ =	shalt  }
0x54: {  	_ =	shalt  }
0x55: {  	_ =	shalt  }
0x56: {  	_ =	shalt  }
0x57: {  	_ =	shalt  }
0x58: {  	_ =	shalt  }
0x59: {  	_ =	shalt  }
0x5a: {  	_ =	shalt  }
0x5b: {  	_ =	shalt  }
0x5c: {  	_ =	shalt  }
0x5d: {  	_ =	shalt  }
0x5e: {  	_ =	shalt  }
0x5f: {  	_ =	shalt  }
0x60: {  	_ =	shalt  }
0x61: {  	_ =	shalt  }
0x62: {  	_ =	shalt  }
0x63: {  	_ =	shalt  }
0x64: {  	_ =	shalt  }
0x65: {  	_ =	shalt  }
0x66: {  	_ =	shalt  }
0x67: {  	_ =	shalt  }
0x68: {  	_ =	shalt  }
0x69: {  	_ =	shalt  }
0x6a: {  	_ =	shalt  }
0x6b: {  	_ =	shalt  }
0x6c: {  	_ =	shalt  }
0x6d: {  	_ =	shalt  }
0x6e: {  	_ =	shalt  }
0x6f: {  	_ =	shalt  }
0x70: {  	_ =	shalt  }
0x71: {  	_ =	shalt  }
0x72: {  	_ =	shalt  }
0x73: {  	_ =	shalt  }
0x74: {  	_ =	shalt  }
0x75: {  	_ =	shalt  }
0x76: {  	_ =	shalt  }
0x77: {  	_ =	shalt  }
0x78: {  	_ =	shalt  }
0x79: {  	_ =	shalt  }
0x7a: {  	_ =	shalt  }
0x7b: {  	_ =	shalt  }
0x7c: {  	_ =	shalt  }
0x7d: {  	_ =	shalt  }
0x7e: {  	_ =	shalt  }
0x7f: {  	_ =	shalt  }
0x80: {  	_ =	shalt  }
0x81: {  	_ =	shalt  }
0x82: {  	_ =	shalt  }
0x83: {  	_ =	shalt  }
0x84: {  	_ =	shalt  }
0x85: {  	_ =	shalt  }
0x86: {  	_ =	shalt  }
0x87: {  	_ =	shalt  }
.Lfunc_end0:
.L_simem_size_0:
called_computation_lowered:
.L_overlay_start_0:
0x88: {  	s2 =	sld [smem:$0x3FD9]  }
0x89: {  	s3 =	sld [smem:$0x3FFE];
	_ =	sdelay $0x1  }
0x8a: {  	s1 =	srdreg.scid  }
0x8b: {  	s0 =	sand.u32 $0x1, s1  }
0x8c: {  	s17 =	sshll.u32 s0, $0xA;
	s2 =	sadd.s32 s3, s2  }
0x8d: {  	s2 =	sadd.s32 s2, s17  }
0x8e: {  	[smem:$0x3FC6] =	sst s2  }
0x8f: {  	_ = 	snop  }
0x90: {  	s2 =	sld [smem:$0x3FD0];
	(tm) =	ssettm $0x1  }
0x91: {  	s18 =	sld [smem:$0x3FFB];
	_ =	sdelay $0x3  }
0x92: {  	_ =	strace s18  }
0x93: {  	s3 =	sld [smem:$0x3FFC];
	_ =	sdelay $0x3  }
0x94: {  	_ =	strace s3  }
0x95: {  	s3 =	sld [smem:$0x3FFD];
	_ =	sdelay $0x3  }
0x96: {  	_ =	strace s3  }
0x97: {  	_ =	strace $0x8FFFFFFF  }
0x98: {  	s19 =	sld [smem:$0x3FDB];
	_ =	sdelay $0x1  }
0x99: {  	s4 =	simm.s32 $_scs_section_size  }
0x9a: {  	s5 =	simm.s32 $_size__tile_overlayer_lowered;
	s6 =	simm.s32 $_tile_overlayer_lowered  }
0x9b: {  	s22 =	simm.s32 $0x1BFF;
	s21 =	sshll.u32 s6, $0x1;
	s3 =	sadd.s32 s4, s19  }
0x9c: {  	s7 =	simm.s32 $0x0;
	s20 =	sshll.u32 s5, $0x1;
	s5 =	sadd.s32 s21, s3  }
0x9d: {  	[timem:s7], [sflag:s22] =	dma.local [hbm:s5], s20  }
0x9e: {  	_ =	swait.ge [sflag:s22], s20  }
0x9f: {  	s4 =	ssub.s32 $0x0, s20;
	[sflag:s22] =	ssyncset.done $0x0  }
0xa0: {  	[sflag:s22] =	ssyncadd.s32 s4;
	_ =	sdelay $0x1  }
0xa1: {  	s23 =	simm.s32 $0x1B8B  }
0xa2: {  	_ =	swait.ge [sflag:s23], $0x1  }
0xa3: {  	[sflag:s23] =	ssyncset.done $0x0  }
0xa4: {  	s25 =	simm.s32 $0x1B8E;
	s24 =	sld [smem:$0x3FFE];
	[sflag:s23] =	ssyncadd.s32 $0xFFFFFFFF  }
0xa5: {  	s26 =	simm.s32 $execute0_lowered;
	[smem:$0x3FD2] =	sst s25  }
0xa6: {  	s5 =	sshll.u32 s26, $0x1;
	_ =	strace $0x80000046;
	[dreg:$0x1] =	wrdreg $0xFFFFFFFF  }
0xa7: {  	s28 =	simm.s32 $_size_execute0_lowered;
	s3 =	sadd.s32 s3, s5;
	[dreg:$0x0] =	wrdreg $0x0  }
0xa8: {  	s5 =	sshll.u32 s28, $0x1;
	[dreg:$0x2] =	wrdreg s3  }
0xa9: {  	[dreg:$0x3] =	wrdreg s5  }
0xaa: {  	[dreg:$0x4] =	wrdreg $0xC0  }
0xab: {  	_ =	task [dreg:s7], $0x5FFFF  }
0xac: {  	[dreg:$0x1] =	wrdreg $0xFFFFFFFF  }
0xad: {  	[dreg:$0x0] =	wrdreg $0x60  }
0xae: {  	[dreg:$0x2] =	wrdreg s24  }
0xaf: {  	[dreg:$0x3] =	wrdreg s2  }
0xb0: {  	[dreg:$0x4] =	wrdreg $0x9  }
0xb1: {  	_ =	task.clear_ibuf [dreg:s7], $0x5FFFF;
	_ =	strace $0x90000046  }
0xb2: {  	s29 =	simm.s32 $0x9;
	_ =	strace $0x80000048  }
0xb3: {  	_ =	swait.ge [sflag:s29], $0x1  }
0xb4: {  	[sflag:s29] =	ssyncadd.s32 $0xFFFFFFFF  }
0xb5: {  	_ =	strace $0x90000048  }
0xb6: {  	_ =	sfence  }
0xb7: {  	s30 =	sld [smem:$0x0];
	_ =	sdelay $0x2  }
0xb8: {  	s31 =	sshll.u32 s1, $0xD;
	s1 =	sshrl.u32 s1, $0x2  }
0xb9: {  	s3 =	sand.u32 $0x4000, s31;
	s1 =	sadd.s32 s1, s30  }
0xba: {  	s0 =	sor.u32 s3, s0;
	s1 =	sshll.u32 s1, $0x11  }
0xbb: {  	s0 =	sor.u32 s1, s0  }
0xbc: {  	s0 =	sadd.s32 $0x8F2B, s0  }
0xbd: {  	[sflag:s0] =	ssyncadd.remote.s32 $0x1  }
0xbe: {  	_ =	sfence.sel $0xFFFF  }
0xbf: {  	[dreg:$0x0] =	wrdreg $0xFFFFFFFF;
	(pc) =	sbr.abs _section_cstart, $3  }
0xc0: {  	[dreg:$0x1] =	wrdreg $0xFFFFFFFF  }
0xc1: {  	_ =	task.clear_ibuf [dreg:s7], $0x2FFFF;
	_ =	strace $0x9FFFFFFF  }
0xc2: {  	(tm) =	ssettm $0x7FFFFFFF  }
0xc3: {  	_ =	shalt  }
tec
execute0_lowered:
.L_overlay_start_1:
0x0: {  	(tag) =	ssettag $0x1  }
0x1: {  	s0 =	rddreg [dreg:$0x0]  }
0x2: {  	s1 =	srdreg.scid;
	s3 =	stileid.u32  }
0x3: {  	s2 =	rddreg [dreg:$0x1];
	s8 =	simm.s32 $0x3;
	s9 =	simm.s32 $0x1980  }
0x4: {  	s24 =	simm.s32 $0xB980;
	s22 =	simm.s32 $0x12980;
	s23 =	simm.s32 $0x14980  }
0x5: {  	s28 =	simm.s32 $0x10D80;
	s29 =	simm.s32 $0x12D80;
	s30 =	simm.s32 $0x14D80  }
0x6: {  	s31 =	simm.s32 $0xD180;
	s10 =	simm.s32 $0xD580;
	s11 =	simm.s32 $0xF580  }
0x7: {  	s12 =	simm.s32 $0x11580;
	s13 =	simm.s32 $0x13580;
	s14 =	simm.s32 $0x15580  }
0x8: {  	s15 =	simm.s32 $0x1;
	s16 =	simm.s32 $0x2;
	s18 =	simm.s32 $0x0  }
0x9: {  	s1 =	sand.u32 $0x1, s1;
	s4 =	sshll.u32 s3, $0x1;
	s3 =	simm.s32 $0x0  }
0xa: {  	s5 =	sor.u32 s1, s4;
	[smem:$0x7FF] =	sst s3;
	s1 =	ssub.s32 $0x2, s1  }
0xb: {  	s4 =	smul.u32 $0x320, s5;
	_ =	strace $0x80000047;
	s6 =	sshrl.u32 s1, $0x1  }
.Ltmp0:
0xc: {  	s5 =	sshll.u32 s5, $0x5;
	s25 =	ssub.s32 s1, s6;
	(pc) =	sbr.rel .LBB2_1-.Ltmp0, $4  }
0xd: {  	s1 =	simm.s32 $0xF180;
	s6 =	simm.s32 $0x13180;
	s7 =	sadd.s32 s4, s0  }
0xe: {  	v2 =	vlaneseq.u32;
	s4 =	sadd.s32 $0x6800, s0;
	s0 =	smax.u32 s25, $0x1;
	s25 =	simm.s32 $0xCD80  }
0xf: {  	vm0 =	vmmov $0xff;
	v1 =	vshrl.u32 v2, $0x3;
	s26 =	sadd.s32 $0x400, s7;
	[dreg:$0x4] =	wrdreg s0;
	s0 =	simm.s32 $0x11180  }
0x10: {  	v0 =	vand.u32 $0x7, v2;
	v2 =	vor.u32 $0x8, v2;
	v1 =	vmul.u32 $0x8, v1;
	s7 =	simm.s32 $0x15180;
	[dreg:$0x3] =	wrdreg s26;
	s26 =	simm.s32 $0xED80  }
.LBB2_7:
0x11: {  	s18 =	rddreg [dreg:$0x5]  }
0x12: {  	s17 =	rddreg [dreg:$0x4];
	s18 =	sadd.s32 $0x1, s18  }
0x13: {  	p0 =	sne.s32 s18, s17  }
.Ltmp1:
0x14: {  	_ = 	snop;
	(pc) =	sbr.rel @!p0 .LBB2_8-.Ltmp1, $1  }
0x15: {  	_ =	sdelay $0x3  }
.LBB2_1:
0x16: {  	[dreg:$0x5] =	wrdreg s18  }
0x17: {  	s17 =	rddreg [dreg:$0x3]  }
0x18: {  	[tilespmem:s3], [sflag:$0x3] =	stream.linear.gather [hbm4b:s17+s3], $0x1900, $0x38;
	[tilespmem:$0x16180] =	vst v63  }
0x19: {  	_ =	swait.ge [sflag:s8], $0x1900  }
0x1a: {  	[sflag:s8] =	ssyncset.done $0x0  }
0x1b: {  	s18 =	simm.s32 $0x40;
	s17 =	simm.s32 $0x0;
	[sflag:s8] =	ssyncadd.s32 $0xFFFFE700  }
.LBB2_2:
0x1c: {  	p0 =	sne.s32 s18, $0x63C0;
	v3 =	vld [tilespmem:s17+$0x0];
	_ =	sdelay $0x3  }
.Ltmp2:
0x1d: {  	(pc) =	sbr.rel @p0 .LBB2_2-.Ltmp2, $4  }
0x1e: {  	v4 =	vshll.u32 v3, $0x3  }
0x1f: {  	v3 =	vand.u32 $0x7, v3;
	v4 =	vand.u32 $0xFFFFFFC0, v4  }
0x20: {  	v3 =	vor.u32 v3, v4  }
0x21: {  	[tilespmem:s17+$0x0] =	vst v3;
	s17 =	sshra.s32 s18, $0x2;
	s18 =	sadd.s32 $0x40, s18  }
0x22: {  	v3 =	vld [tilespmem:s17+$0x0];
	_ =	sdelay $0x4  }
0x23: {  	v4 =	vshll.u32 v3, $0x3  }
0x24: {  	v3 =	vand.u32 $0x7, v3;
	v4 =	vand.u32 $0xFFFFFFC0, v4  }
0x25: {  	v3 =	vor.u32 v3, v4  }
0x26: {  	[tilespmem:s17+$0x0] =	vst v3  }
0x27: {  	v3 =	vld [tilespmem:$0x0]  }
0x28: {  	v5 =	vld [tilespmem:$0x10]  }
0x29: {  	v6 =	vld [tilespmem:$0x20];
	_ =	sdelay $0x2  }
0x2a: {  	[tilespmem:$0x15980] =	vst v3  }
0x2b: {  	[tilespmem:$0x15990] =	vst v5  }
0x2c: {  	v27 =	vadd.s32 $0x8, v3;
	[tilespmem:$0x159A0] =	vst v6  }
0x2d: {  	v28 =	vadd.s32 $0x10, v3;
	[tilespmem:$0x15A00] =	vst v27  }
0x2e: {  	v29 =	vadd.s32 $0x18, v3;
	[tilespmem:$0x15A80] =	vst v28  }
0x2f: {  	v30 =	vadd.s32 $0x20, v3;
	[tilespmem:$0x15B00] =	vst v29  }
0x30: {  	v31 =	vadd.s32 $0x28, v3;
	[tilespmem:$0x15B80] =	vst v30  }
0x31: {  	v32 =	vadd.s32 $0x30, v3;
	[tilespmem:$0x15C00] =	vst v31  }
0x32: {  	v33 =	vadd.s32 $0x38, v3;
	[tilespmem:$0x15C80] =	vst v32  }
0x33: {  	v34 =	vadd.s32 $0x8, v5;
	[tilespmem:$0x15D00] =	vst v33  }
0x34: {  	v35 =	vadd.s32 $0x10, v5;
	[tilespmem:$0x15A10] =	vst v34  }
0x35: {  	v36 =	vadd.s32 $0x18, v5;
	[tilespmem:$0x15A90] =	vst v35  }
0x36: {  	v37 =	vadd.s32 $0x20, v5;
	[tilespmem:$0x15B10] =	vst v36  }
0x37: {  	v38 =	vadd.s32 $0x28, v5;
	[tilespmem:$0x15B90] =	vst v37  }
0x38: {  	v39 =	vadd.s32 $0x30, v5;
	[tilespmem:$0x15C10] =	vst v38  }
0x39: {  	v40 =	vadd.s32 $0x38, v5;
	[tilespmem:$0x15C90] =	vst v39  }
0x3a: {  	v41 =	vadd.s32 $0x8, v6;
	[tilespmem:$0x15D10] =	vst v40  }
0x3b: {  	v42 =	vadd.s32 $0x10, v6;
	v44 =	vperm.xlane v3, v0;
	[tilespmem:$0x15A20] =	vst v41  }
0x3c: {  	v43 =	vadd.s32 $0x18, v6;
	[tilespmem:$0x15AA0] =	vst v42  }
0x3d: {  	v45 =	vadd.s32 $0x20, v6;
	v3 =	vperm.xlane v3, v2;
	[tilespmem:$0x15B20] =	vst v43;
	v5 =	vadd.s32 v1, v44  }
0x3e: {  	v46 =	vadd.s32 $0x28, v6;
	[tilespmem:$0x15BA0] =	vst v45  }
0x3f: {  	v47 =	vadd.s32 $0x30, v6;
	[tilespmem:$0x15C20] =	vst v46;
	v3 =	vadd.s32 v1, v3  }
0x40: {  	v48 =	vadd.s32 $0x38, v6;
	[tilespmem:$0x15CA0] =	vst v47  }
0x41: {  	s17 =	simm.s32 $0x0;
	[tilespmem:$0x15D20] =	vst v48  }
0x42: {  	[tilespmem:s9], [sflag:$0x1] =	stream.indirect_vreg.gather [hbm4b:s2+s17], $0x80, v5, vm0, $0xb8;
	[tilespmem:$0x16180] =	vst v63  }
0x43: {  	s18 =	simm.s32 $0x3980  }
0x44: {  	[tilespmem:s18], [sflag:$0x1] =	stream.indirect_vreg.gather [hbm4b:s2+s17], $0x80, v3, vm0, $0xb8;
	[tilespmem:$0x16180] =	vst v63  }
0x45: {  	v3 =	vld [tilespmem:$0x15990];
	_ =	sdelay $0x4  }
0x46: {  	v49 =	vperm.xlane v3, v0;
	_ =	sdelay $0x1  }
0x47: {  	v3 =	vperm.xlane v3, v2;
	v4 =	vadd.s32 v1, v49;
	_ =	sdelay $0x1  }
0x48: {  	v3 =	vadd.s32 v1, v3;
	_ =	sdelay $0x1  }
0x49: {  	s20 =	simm.s32 $0x5980  }
0x4a: {  	[tilespmem:s20], [sflag:$0x1] =	stream.indirect_vreg.gather [hbm4b:s2+s17], $0x80, v4, vm0, $0xb8;
	[tilespmem:$0x16180] =	vst v63  }
0x4b: {  	s21 =	simm.s32 $0x7980  }
0x4c: {  	[tilespmem:s21], [sflag:$0x1] =	stream.indirect_vreg.gather [hbm4b:s2+s17], $0x80, v3, vm0, $0xb8;
	[tilespmem:$0x16180] =	vst v63  }
0x4d: {  	v3 =	vld.msk [tilespmem:$0x159A0], $0xff;
	_ =	sdelay $0x4  }
0x4e: {  	v3 =	vperm.xlane v3, v0;
	_ =	sdelay $0x1  }
0x4f: {  	v3 =	vadd.s32 v1, v3;
	_ =	sdelay $0x3  }
0x50: {  	s19 =	simm.s32 $0x9980  }
0x51: {  	[tilespmem:s19], [sflag:$0x1] =	stream.indirect_vreg.gather [hbm4b:s2+s17], $0x80, v3, vm0, $0xb8;
	[tilespmem:$0x16180] =	vst v63  }
0x52: {  	v3 =	vld [tilespmem:$0x15A00];
	_ =	sdelay $0x4  }
0x53: {  	v50 =	vperm.xlane v3, v0;
	_ =	sdelay $0x1  }
0x54: {  	v3 =	vperm.xlane v3, v2;
	v4 =	vadd.s32 v1, v50;
	_ =	sdelay $0x1  }
0x55: {  	v3 =	vadd.s32 v1, v3;
	_ =	sdelay $0x1  }
0x56: {  	s20 =	simm.s32 $0x1D80  }
0x57: {  	[tilespmem:s20], [sflag:$0x1] =	stream.indirect_vreg.gather [hbm4b:s2+s17], $0x80, v4, vm0, $0xb8;
	[tilespmem:$0x16180] =	vst v63  }
0x58: {  	s21 =	simm.s32 $0x3D80  }
0x59: {  	[tilespmem:s21], [sflag:$0x1] =	stream.indirect_vreg.gather [hbm4b:s2+s17], $0x80, v3, vm0, $0xb8;
	[tilespmem:$0x16180] =	vst v63  }
0x5a: {  	v3 =	vld [tilespmem:$0x15A10];
	_ =	sdelay $0x4  }
0x5b: {  	v51 =	vperm.xlane v3, v0;
	_ =	sdelay $0x1  }
0x5c: {  	v3 =	vperm.xlane v3, v2;
	v4 =	vadd.s32 v1, v51;
	_ =	sdelay $0x1  }
0x5d: {  	v3 =	vadd.s32 v1, v3;
	_ =	sdelay $0x1  }
0x5e: {  	s19 =	simm.s32 $0x5D80  }
0x5f: {  	[tilespmem:s19], [sflag:$0x1] =	stream.indirect_vreg.gather [hbm4b:s2+s17], $0x80, v4, vm0, $0xb8;
	[tilespmem:$0x16180] =	vst v63  }
0x60: {  	s20 =	simm.s32 $0x7D80  }
0x61: {  	[tilespmem:s20], [sflag:$0x1] =	stream.indirect_vreg.gather [hbm4b:s2+s17], $0x80, v3, vm0, $0xb8;
	[tilespmem:$0x16180] =	vst v63  }
0x62: {  	v3 =	vld.msk [tilespmem:$0x15A20], $0xff;
	_ =	sdelay $0x4  }
0x63: {  	v3 =	vperm.xlane v3, v0;
	_ =	sdelay $0x1  }
0x64: {  	v3 =	vadd.s32 v1, v3;
	_ =	sdelay $0x3  }
0x65: {  	s21 =	simm.s32 $0x9D80  }
0x66: {  	[tilespmem:s21], [sflag:$0x1] =	stream.indirect_vreg.gather [hbm4b:s2+s17], $0x80, v3, vm0, $0xb8;
	[tilespmem:$0x16180] =	vst v63  }
0x67: {  	v3 =	vld [tilespmem:$0x15A80];
	_ =	sdelay $0x4  }
0x68: {  	v52 =	vperm.xlane v3, v0;
	_ =	sdelay $0x1  }
0x69: {  	v3 =	vperm.xlane v3, v2;
	v4 =	vadd.s32 v1, v52;
	_ =	sdelay $0x1  }
0x6a: {  	v3 =	vadd.s32 v1, v3;
	_ =	sdelay $0x1  }
0x6b: {  	s19 =	simm.s32 $0x2180  }
0x6c: {  	[tilespmem:s19], [sflag:$0x1] =	stream.indirect_vreg.gather [hbm4b:s2+s17], $0x80, v4, vm0, $0xb8;
	[tilespmem:$0x16180] =	vst v63  }
0x6d: {  	s20 =	simm.s32 $0x4180  }
0x6e: {  	[tilespmem:s20], [sflag:$0x1] =	stream.indirect_vreg.gather [hbm4b:s2+s17], $0x80, v3, vm0, $0xb8;
	[tilespmem:$0x16180] =	vst v63  }
0x6f: {  	v3 =	vld [tilespmem:$0x15A90];
	_ =	sdelay $0x4  }
0x70: {  	v53 =	vperm.xlane v3, v0;
	_ =	sdelay $0x1  }
0x71: {  	v3 =	vperm.xlane v3, v2;
	v4 =	vadd.s32 v1, v53;
	_ =	sdelay $0x1  }
0x72: {  	v3 =	vadd.s32 v1, v3;
	_ =	sdelay $0x1  }
0x73: {  	s21 =	simm.s32 $0x6180  }
0x74: {  	[tilespmem:s21], [sflag:$0x1] =	stream.indirect_vreg.gather [hbm4b:s2+s17], $0x80, v4, vm0, $0xb8;
	[tilespmem:$0x16180] =	vst v63  }
0x75: {  	s19 =	simm.s32 $0x8180  }
0x76: {  	[tilespmem:s19], [sflag:$0x1] =	stream.indirect_vreg.gather [hbm4b:s2+s17], $0x80, v3, vm0, $0xb8;
	[tilespmem:$0x16180] =	vst v63  }
0x77: {  	v3 =	vld.msk [tilespmem:$0x15AA0], $0xff;
	_ =	sdelay $0x4  }
0x78: {  	v3 =	vperm.xlane v3, v0;
	_ =	sdelay $0x1  }
0x79: {  	v3 =	vadd.s32 v1, v3;
	_ =	sdelay $0x3  }
0x7a: {  	s20 =	simm.s32 $0xA180  }
0x7b: {  	[tilespmem:s20], [sflag:$0x1] =	stream.indirect_vreg.gather [hbm4b:s2+s17], $0x80, v3, vm0, $0xb8;
	[tilespmem:$0x16180] =	vst v63  }
0x7c: {  	v3 =	vld [tilespmem:$0x15B00];
	_ =	sdelay $0x4  }
0x7d: {  	v54 =	vperm.xlane v3, v0;
	_ =	sdelay $0x1  }
0x7e: {  	v3 =	vperm.xlane v3, v2;
	v4 =	vadd.s32 v1, v54;
	_ =	sdelay $0x1  }
0x7f: {  	v3 =	vadd.s32 v1, v3;
	_ =	sdelay $0x1  }
0x80: {  	s21 =	simm.s32 $0x2580  }
0x81: {  	[tilespmem:s21], [sflag:$0x1] =	stream.indirect_vreg.gather [hbm4b:s2+s17], $0x80, v4, vm0, $0xb8;
	[tilespmem:$0x16180] =	vst v63  }
0x82: {  	s19 =	simm.s32 $0x4580  }
0x83: {  	[tilespmem:s19], [sflag:$0x1] =	stream.indirect_vreg.gather [hbm4b:s2+s17], $0x80, v3, vm0, $0xb8;
	[tilespmem:$0x16180] =	vst v63  }
0x84: {  	v3 =	vld [tilespmem:$0x15B10];
	_ =	sdelay $0x4  }
0x85: {  	v55 =	vperm.xlane v3, v0;
	_ =	sdelay $0x1  }
0x86: {  	v3 =	vperm.xlane v3, v2;
	v4 =	vadd.s32 v1, v55;
	_ =	sdelay $0x1  }
0x87: {  	v3 =	vadd.s32 v1, v3;
	_ =	sdelay $0x1  }
0x88: {  	s20 =	simm.s32 $0x6580  }
0x89: {  	[tilespmem:s20], [sflag:$0x1] =	stream.indirect_vreg.gather [hbm4b:s2+s17], $0x80, v4, vm0, $0xb8;
	[tilespmem:$0x16180] =	vst v63  }
0x8a: {  	s21 =	simm.s32 $0x8580  }
0x8b: {  	[tilespmem:s21], [sflag:$0x1] =	stream.indirect_vreg.gather [hbm4b:s2+s17], $0x80, v3, vm0, $0xb8;
	[tilespmem:$0x16180] =	vst v63  }
0x8c: {  	v3 =	vld.msk [tilespmem:$0x15B20], $0xff;
	_ =	sdelay $0x4  }
0x8d: {  	v3 =	vperm.xlane v3, v0;
	_ =	sdelay $0x1  }
0x8e: {  	v3 =	vadd.s32 v1, v3;
	_ =	sdelay $0x3  }
0x8f: {  	s19 =	simm.s32 $0xA580  }
0x90: {  	[tilespmem:s19], [sflag:$0x1] =	stream.indirect_vreg.gather [hbm4b:s2+s17], $0x80, v3, vm0, $0xb8;
	[tilespmem:$0x16180] =	vst v63  }
0x91: {  	v3 =	vld [tilespmem:$0x15B80];
	_ =	sdelay $0x4  }
0x92: {  	v56 =	vperm.xlane v3, v0;
	_ =	sdelay $0x1  }
0x93: {  	v3 =	vperm.xlane v3, v2;
	v4 =	vadd.s32 v1, v56;
	_ =	sdelay $0x1  }
0x94: {  	v3 =	vadd.s32 v1, v3;
	_ =	sdelay $0x1  }
0x95: {  	s20 =	simm.s32 $0x2980  }
0x96: {  	[tilespmem:s20], [sflag:$0x1] =	stream.indirect_vreg.gather [hbm4b:s2+s17], $0x80, v4, vm0, $0xb8;
	[tilespmem:$0x16180] =	vst v63  }
0x97: {  	s21 =	simm.s32 $0x4980  }
0x98: {  	[tilespmem:s21], [sflag:$0x1] =	stream.indirect_vreg.gather [hbm4b:s2+s17], $0x80, v3, vm0, $0xb8;
	[tilespmem:$0x16180] =	vst v63  }
0x99: {  	v3 =	vld [tilespmem:$0x15B90];
	_ =	sdelay $0x4  }
0x9a: {  	v57 =	vperm.xlane v3, v0;
	_ =	sdelay $0x1  }
0x9b: {  	v3 =	vperm.xlane v3, v2;
	v4 =	vadd.s32 v1, v57;
	_ =	sdelay $0x1  }
0x9c: {  	v3 =	vadd.s32 v1, v3;
	_ =	sdelay $0x1  }
0x9d: {  	s19 =	simm.s32 $0x6980  }
0x9e: {  	[tilespmem:s19], [sflag:$0x1] =	stream.indirect_vreg.gather [hbm4b:s2+s17], $0x80, v4, vm0, $0xb8;
	[tilespmem:$0x16180] =	vst v63  }
0x9f: {  	s20 =	simm.s32 $0x8980  }
0xa0: {  	[tilespmem:s20], [sflag:$0x1] =	stream.indirect_vreg.gather [hbm4b:s2+s17], $0x80, v3, vm0, $0xb8;
	[tilespmem:$0x16180] =	vst v63  }
0xa1: {  	v3 =	vld.msk [tilespmem:$0x15BA0], $0xff;
	_ =	sdelay $0x4  }
0xa2: {  	v3 =	vperm.xlane v3, v0;
	_ =	sdelay $0x1  }
0xa3: {  	v3 =	vadd.s32 v1, v3;
	_ =	sdelay $0x3  }
0xa4: {  	s21 =	simm.s32 $0xA980  }
0xa5: {  	[tilespmem:s21], [sflag:$0x1] =	stream.indirect_vreg.gather [hbm4b:s2+s17], $0x80, v3, vm0, $0xb8;
	[tilespmem:$0x16180] =	vst v63  }
0xa6: {  	v3 =	vld [tilespmem:$0x15C00];
	_ =	sdelay $0x4  }
0xa7: {  	v58 =	vperm.xlane v3, v0;
	_ =	sdelay $0x1  }
0xa8: {  	v3 =	vperm.xlane v3, v2;
	v4 =	vadd.s32 v1, v58;
	_ =	sdelay $0x1  }
0xa9: {  	v3 =	vadd.s32 v1, v3;
	_ =	sdelay $0x1  }
0xaa: {  	s19 =	simm.s32 $0x2D80  }
0xab: {  	[tilespmem:s19], [sflag:$0x1] =	stream.indirect_vreg.gather [hbm4b:s2+s17], $0x80, v4, vm0, $0xb8;
	[tilespmem:$0x16180] =	vst v63  }
0xac: {  	s20 =	simm.s32 $0x4D80  }
0xad: {  	[tilespmem:s20], [sflag:$0x1] =	stream.indirect_vreg.gather [hbm4b:s2+s17], $0x80, v3, vm0, $0xb8;
	[tilespmem:$0x16180] =	vst v63  }
0xae: {  	v3 =	vld [tilespmem:$0x15C10];
	_ =	sdelay $0x4  }
0xaf: {  	v59 =	vperm.xlane v3, v0;
	_ =	sdelay $0x1  }
0xb0: {  	v3 =	vperm.xlane v3, v2;
	v4 =	vadd.s32 v1, v59;
	_ =	sdelay $0x1  }
0xb1: {  	v3 =	vadd.s32 v1, v3;
	_ =	sdelay $0x1  }
0xb2: {  	s21 =	simm.s32 $0x6D80  }
0xb3: {  	[tilespmem:s21], [sflag:$0x1] =	stream.indirect_vreg.gather [hbm4b:s2+s17], $0x80, v4, vm0, $0xb8;
	[tilespmem:$0x16180] =	vst v63  }
0xb4: {  	s19 =	simm.s32 $0x8D80  }
0xb5: {  	[tilespmem:s19], [sflag:$0x1] =	stream.indirect_vreg.gather [hbm4b:s2+s17], $0x80, v3, vm0, $0xb8;
	[tilespmem:$0x16180] =	vst v63  }
0xb6: {  	v3 =	vld.msk [tilespmem:$0x15C20], $0xff;
	_ =	sdelay $0x4  }
0xb7: {  	v3 =	vperm.xlane v3, v0;
	_ =	sdelay $0x1  }
0xb8: {  	v3 =	vadd.s32 v1, v3;
	_ =	sdelay $0x3  }
0xb9: {  	s20 =	simm.s32 $0xAD80  }
0xba: {  	[tilespmem:s20], [sflag:$0x1] =	stream.indirect_vreg.gather [hbm4b:s2+s17], $0x80, v3, vm0, $0xb8;
	[tilespmem:$0x16180] =	vst v63  }
0xbb: {  	v3 =	vld [tilespmem:$0x15C80];
	_ =	sdelay $0x4  }
0xbc: {  	v60 =	vperm.xlane v3, v0;
	_ =	sdelay $0x1  }
0xbd: {  	v3 =	vperm.xlane v3, v2;
	v4 =	vadd.s32 v1, v60;
	_ =	sdelay $0x1  }
0xbe: {  	v3 =	vadd.s32 v1, v3;
	_ =	sdelay $0x1  }
0xbf: {  	s21 =	simm.s32 $0x3180  }
0xc0: {  	[tilespmem:s21], [sflag:$0x1] =	stream.indirect_vreg.gather [hbm4b:s2+s17], $0x80, v4, vm0, $0xb8;
	[tilespmem:$0x16180] =	vst v63  }
0xc1: {  	s19 =	simm.s32 $0x5180  }
0xc2: {  	[tilespmem:s19], [sflag:$0x1] =	stream.indirect_vreg.gather [hbm4b:s2+s17], $0x80, v3, vm0, $0xb8;
	[tilespmem:$0x16180] =	vst v63  }
0xc3: {  	v3 =	vld [tilespmem:$0x15C90];
	_ =	sdelay $0x4  }
0xc4: {  	v61 =	vperm.xlane v3, v0;
	_ =	sdelay $0x1  }
0xc5: {  	v3 =	vperm.xlane v3, v2;
	v4 =	vadd.s32 v1, v61;
	_ =	sdelay $0x1  }
0xc6: {  	v3 =	vadd.s32 v1, v3;
	_ =	sdelay $0x1  }
0xc7: {  	s20 =	simm.s32 $0x7180  }
0xc8: {  	[tilespmem:s20], [sflag:$0x1] =	stream.indirect_vreg.gather [hbm4b:s2+s17], $0x80, v4, vm0, $0xb8;
	[tilespmem:$0x16180] =	vst v63  }
0xc9: {  	s21 =	simm.s32 $0x9180  }
0xca: {  	[tilespmem:s21], [sflag:$0x1] =	stream.indirect_vreg.gather [hbm4b:s2+s17], $0x80, v3, vm0, $0xb8;
	[tilespmem:$0x16180] =	vst v63  }
0xcb: {  	v3 =	vld.msk [tilespmem:$0x15CA0], $0xff;
	_ =	sdelay $0x4  }
0xcc: {  	v3 =	vperm.xlane v3, v0;
	_ =	sdelay $0x1  }
0xcd: {  	v3 =	vadd.s32 v1, v3;
	_ =	sdelay $0x3  }
0xce: {  	s19 =	simm.s32 $0xB180  }
0xcf: {  	[tilespmem:s19], [sflag:$0x1] =	stream.indirect_vreg.gather [hbm4b:s2+s17], $0x80, v3, vm0, $0xb8;
	[tilespmem:$0x16180] =	vst v63  }
0xd0: {  	v3 =	vld [tilespmem:$0x15D00];
	_ =	sdelay $0x4  }
0xd1: {  	v62 =	vperm.xlane v3, v0;
	_ =	sdelay $0x1  }
0xd2: {  	v3 =	vperm.xlane v3, v2;
	v4 =	vadd.s32 v1, v62;
	_ =	sdelay $0x1  }
0xd3: {  	v3 =	vadd.s32 v1, v3;
	_ =	sdelay $0x1  }
0xd4: {  	s20 =	simm.s32 $0x3580  }
0xd5: {  	[tilespmem:s20], [sflag:$0x1] =	stream.indirect_vreg.gather [hbm4b:s2+s17], $0x80, v4, vm0, $0xb8;
	[tilespmem:$0x16180] =	vst v63  }
0xd6: {  	s21 =	simm.s32 $0x5580  }
0xd7: {  	[tilespmem:s21], [sflag:$0x1] =	stream.indirect_vreg.gather [hbm4b:s2+s17], $0x80, v3, vm0, $0xb8;
	[tilespmem:$0x16180] =	vst v63  }
0xd8: {  	v3 =	vld [tilespmem:$0x15D10];
	_ =	sdelay $0x4  }
0xd9: {  	v63 =	vperm.xlane v3, v0;
	_ =	sdelay $0x1  }
0xda: {  	v3 =	vperm.xlane v3, v2;
	v4 =	vadd.s32 v1, v63;
	_ =	sdelay $0x1  }
0xdb: {  	v3 =	vadd.s32 v1, v3;
	_ =	sdelay $0x1  }
0xdc: {  	s19 =	simm.s32 $0x7580  }
0xdd: {  	[tilespmem:s19], [sflag:$0x1] =	stream.indirect_vreg.gather [hbm4b:s2+s17], $0x80, v4, vm0, $0xb8;
	[tilespmem:$0x16180] =	vst v63  }
0xde: {  	s20 =	simm.s32 $0x9580  }
0xdf: {  	[tilespmem:s20], [sflag:$0x1] =	stream.indirect_vreg.gather [hbm4b:s2+s17], $0x80, v3, vm0, $0xb8;
	[tilespmem:$0x16180] =	vst v63  }
0xe0: {  	v3 =	vld.msk [tilespmem:$0x15D20], $0xff;
	_ =	sdelay $0x4  }
0xe1: {  	v3 =	vperm.xlane v3, v0;
	_ =	sdelay $0x1  }
0xe2: {  	v3 =	vadd.s32 v1, v3  }
.Ltmp3:
0xe3: {  	_ = 	snop;
	(pc) =	sbr.rel .LBB2_4-.Ltmp3, $3  }
0xe4: {  	_ =	sdelay $0x1  }
0xe5: {  	s18 =	simm.s32 $0x38;
	s21 =	simm.s32 $0xB580  }
0xe6: {  	[tilespmem:s21], [sflag:$0x1] =	stream.indirect_vreg.gather [hbm4b:s2+s17], $0x80, v3, vm0, $0xb8;
	[tilespmem:$0x16180] =	vst v63  }
.LBB2_6:
0xe7: {  	_ =	swait.ge [sflag:s16], $0x1400  }
0xe8: {  	[sflag:s16] =	ssyncset.done $0x0  }
0xe9: {  	[sflag:s16] =	ssyncadd.s32 $0xFFFFEC00  }
0xea: {  	_ =	swait.ge [sflag:s16], $0x1400  }
0xeb: {  	[sflag:s16] =	ssyncset.done $0x0  }
0xec: {  	[sflag:s16] =	ssyncadd.s32 $0xFFFFEC00  }
0xed: {  	_ =	swait.ge [sflag:s16], $0x1400  }
0xee: {  	[sflag:s16] =	ssyncset.done $0x0  }
0xef: {  	[sflag:s16] =	ssyncadd.s32 $0xFFFFEC00  }
0xf0: {  	_ =	swait.ge [sflag:s16], $0x1400  }
0xf1: {  	[sflag:s16] =	ssyncset.done $0x0  }
0xf2: {  	[sflag:s16] =	ssyncadd.s32 $0xFFFFEC00  }
0xf3: {  	s19 =	sadd.s32 $0x1, s17;
	_ =	swait.ge [sflag:s16], $0x1400  }
0xf4: {  	s20 =	smul.u32 $0xCD, s19;
	[sflag:s16] =	ssyncset.done $0x0  }
0xf5: {  	[sflag:s16] =	ssyncadd.s32 $0xFFFFEC00  }
0xf6: {  	s20 =	sshrl.u32 s20, $0xA;
	_ =	swait.ge [sflag:s16], $0x1400  }
0xf7: {  	s20 =	sand.u32 $0x3F, s20;
	[sflag:s16] =	ssyncset.done $0x0  }
0xf8: {  	s21 =	smul.u32 $0x5, s20;
	[sflag:s16] =	ssyncadd.s32 $0xFFFFEC00  }
0xf9: {  	_ =	swait.ge [sflag:s16], $0x1400  }
0xfa: {  	s20 =	sadd.s32 s20, s5;
	s19 =	ssub.s32 s19, s21;
	[sflag:s16] =	ssyncset.done $0x0  }
0xfb: {  	s20 =	smul.u32 $0x6400, s20;
	s19 =	sand.u32 $0xFF, s19;
	[sflag:s16] =	ssyncadd.s32 $0xFFFFEC00  }
0xfc: {  	s17 =	sadd.s32 $0x2, s17;
	s19 =	smul.u32 $0x1400, s19;
	_ =	swait.ge [sflag:s16], $0x1400  }
0xfd: {  	p0 =	sne.s32 s17, $0xA0;
	s20 =	sadd.s32 s4, s20;
	[sflag:s16] =	ssyncset.done $0x0  }
.Ltmp4:
0xfe: {  	s19 =	sadd.s32 s19, s20;
	[sflag:s16] =	ssyncadd.s32 $0xFFFFEC00;
	(pc) =	sbr.rel @!p0 .LBB2_7-.Ltmp4, $4  }
0xff: {  	[hbm4b:s19+s3] =	stream.linear.scatter [tilespmem:s24], [sflag:$0x3], $0xA000, $0x38;
	[tilespmem:$0x16180] =	vst v63  }
0x100: {  	_ =	swait.ge [sflag:s8], $0xA000  }
0x101: {  	[sflag:s8] =	ssyncset.done $0x0  }
0x102: {  	s18 =	sadd.s32 $0x50, s18;
	[sflag:s8] =	ssyncadd.s32 $0xFFFF6000  }
.LBB2_4:
0x103: {  	v3 =	vld [tilespmem:s18+$0xFFFFFFF0];
	_ =	sdelay $0x4  }
0x104: {  	[tilespmem:$0x15D80] =	vst v3;
	v4 =	vadd.s32 $0x8, v3  }
0x105: {  	v32 =	vadd.s32 $0x10, v3;
	[tilespmem:$0x15E00] =	vst v4  }
0x106: {  	v33 =	vadd.s32 $0x18, v3;
	[tilespmem:$0x15E80] =	vst v32  }
0x107: {  	v34 =	vadd.s32 $0x20, v3;
	[tilespmem:$0x15F00] =	vst v33  }
0x108: {  	v35 =	vadd.s32 $0x28, v3;
	[tilespmem:$0x15F80] =	vst v34  }
0x109: {  	v36 =	vadd.s32 $0x30, v3;
	[tilespmem:$0x16000] =	vst v35  }
0x10a: {  	v37 =	vadd.s32 $0x38, v3;
	[tilespmem:$0x16080] =	vst v36  }
0x10b: {  	[tilespmem:$0x16100] =	vst v37  }
0x10c: {  	v4 =	vld [tilespmem:s18+$0x0];
	_ =	sdelay $0x4  }
0x10d: {  	[tilespmem:$0x15D90] =	vst v4;
	v5 =	vadd.s32 $0x8, v4  }
0x10e: {  	v38 =	vadd.s32 $0x10, v4;
	[tilespmem:$0x15E10] =	vst v5  }
0x10f: {  	v39 =	vadd.s32 $0x18, v4;
	[tilespmem:$0x15E90] =	vst v38  }
0x110: {  	v40 =	vadd.s32 $0x20, v4;
	[tilespmem:$0x15F10] =	vst v39  }
0x111: {  	v41 =	vadd.s32 $0x28, v4;
	[tilespmem:$0x15F90] =	vst v40  }
0x112: {  	v42 =	vadd.s32 $0x30, v4;
	[tilespmem:$0x16010] =	vst v41  }
0x113: {  	v4 =	vadd.s32 $0x38, v4;
	[tilespmem:$0x16090] =	vst v42  }
0x114: {  	[tilespmem:$0x16110] =	vst v4  }
0x115: {  	v4 =	vld [tilespmem:s18+$0x10];
	_ =	sdelay $0x4  }
0x116: {  	v43 =	vadd.s32 $0x8, v4;
	[tilespmem:$0x15DA0] =	vst v4  }
0x117: {  	v6 =	vperm.xlane v3, v0;
	v44 =	vadd.s32 $0x10, v4;
	[tilespmem:$0x15E20] =	vst v43  }
0x118: {  	v45 =	vadd.s32 $0x18, v4;
	[tilespmem:$0x15EA0] =	vst v44  }
0x119: {  	v3 =	vperm.xlane v3, v2;
	v6 =	vadd.s32 v1, v6;
	v46 =	vadd.s32 $0x20, v4;
	[tilespmem:$0x15F20] =	vst v45  }
0x11a: {  	v47 =	vadd.s32 $0x28, v4;
	[tilespmem:$0x15FA0] =	vst v46  }
0x11b: {  	v3 =	vadd.s32 v1, v3;
	v48 =	vadd.s32 $0x30, v4;
	[tilespmem:$0x16020] =	vst v47  }
0x11c: {  	v4 =	vadd.s32 $0x38, v4;
	[tilespmem:$0x160A0] =	vst v48  }
0x11d: {  	[tilespmem:$0x16120] =	vst v4  }
0x11e: {  	[tilespmem:s24], [sflag:$0x2] =	stream.indirect_vreg.gather [hbm4b:s2+s3], $0x80, v6, vm0, $0xb8;
	[tilespmem:$0x16180] =	vst v63  }
0x11f: {  	s19 =	simm.s32 $0xD980  }
0x120: {  	[tilespmem:s19], [sflag:$0x2] =	stream.indirect_vreg.gather [hbm4b:s2+s3], $0x80, v3, vm0, $0xb8;
	[tilespmem:$0x16180] =	vst v63  }
0x121: {  	v3 =	vld [tilespmem:$0x15D90];
	_ =	sdelay $0x4  }
0x122: {  	v49 =	vperm.xlane v3, v0;
	_ =	sdelay $0x1  }
0x123: {  	v3 =	vperm.xlane v3, v2;
	v4 =	vadd.s32 v1, v49;
	_ =	sdelay $0x1  }
0x124: {  	v3 =	vadd.s32 v1, v3;
	_ =	sdelay $0x1  }
0x125: {  	s20 =	simm.s32 $0xF980  }
0x126: {  	[tilespmem:s20], [sflag:$0x2] =	stream.indirect_vreg.gather [hbm4b:s2+s3], $0x80, v4, vm0, $0xb8;
	[tilespmem:$0x16180] =	vst v63  }
0x127: {  	s21 =	simm.s32 $0x11980  }
0x128: {  	[tilespmem:s21], [sflag:$0x2] =	stream.indirect_vreg.gather [hbm4b:s2+s3], $0x80, v3, vm0, $0xb8;
	[tilespmem:$0x16180] =	vst v63  }
0x129: {  	v3 =	vld.msk [tilespmem:$0x15DA0], $0xff;
	_ =	sdelay $0x4  }
0x12a: {  	v3 =	vperm.xlane v3, v0;
	_ =	sdelay $0x1  }
0x12b: {  	v3 =	vadd.s32 v1, v3;
	_ =	sdelay $0x3  }
0x12c: {  	s20 =	simm.s32 $0x13980  }
0x12d: {  	[tilespmem:s20], [sflag:$0x2] =	stream.indirect_vreg.gather [hbm4b:s2+s3], $0x80, v3, vm0, $0xb8;
	[tilespmem:$0x16180] =	vst v63  }
0x12e: {  	v3 =	vld [tilespmem:$0x15E00];
	_ =	sdelay $0x4  }
0x12f: {  	v50 =	vperm.xlane v3, v0;
	_ =	sdelay $0x1  }
0x130: {  	v3 =	vperm.xlane v3, v2;
	v4 =	vadd.s32 v1, v50;
	_ =	sdelay $0x1  }
0x131: {  	v3 =	vadd.s32 v1, v3;
	_ =	sdelay $0x1  }
0x132: {  	s21 =	simm.s32 $0xBD80  }
0x133: {  	[tilespmem:s21], [sflag:$0x2] =	stream.indirect_vreg.gather [hbm4b:s2+s3], $0x80, v4, vm0, $0xb8;
	[tilespmem:$0x16180] =	vst v63  }
0x134: {  	s20 =	simm.s32 $0xDD80  }
0x135: {  	[tilespmem:s20], [sflag:$0x2] =	stream.indirect_vreg.gather [hbm4b:s2+s3], $0x80, v3, vm0, $0xb8;
	[tilespmem:$0x16180] =	vst v63  }
0x136: {  	v3 =	vld [tilespmem:$0x15E10];
	_ =	sdelay $0x4  }
0x137: {  	v51 =	vperm.xlane v3, v0;
	_ =	sdelay $0x1  }
0x138: {  	v3 =	vperm.xlane v3, v2;
	v4 =	vadd.s32 v1, v51;
	_ =	sdelay $0x1  }
0x139: {  	v3 =	vadd.s32 v1, v3;
	_ =	sdelay $0x1  }
0x13a: {  	s21 =	simm.s32 $0xFD80  }
0x13b: {  	[tilespmem:s21], [sflag:$0x2] =	stream.indirect_vreg.gather [hbm4b:s2+s3], $0x80, v4, vm0, $0xb8;
	[tilespmem:$0x16180] =	vst v63  }
0x13c: {  	s20 =	simm.s32 $0x11D80  }
0x13d: {  	[tilespmem:s20], [sflag:$0x2] =	stream.indirect_vreg.gather [hbm4b:s2+s3], $0x80, v3, vm0, $0xb8;
	[tilespmem:$0x16180] =	vst v63  }
0x13e: {  	v3 =	vld.msk [tilespmem:$0x15E20], $0xff;
	_ =	sdelay $0x4  }
0x13f: {  	v3 =	vperm.xlane v3, v0;
	_ =	sdelay $0x1  }
0x140: {  	v3 =	vadd.s32 v1, v3;
	_ =	sdelay $0x3  }
0x141: {  	s21 =	simm.s32 $0x13D80  }
0x142: {  	[tilespmem:s21], [sflag:$0x2] =	stream.indirect_vreg.gather [hbm4b:s2+s3], $0x80, v3, vm0, $0xb8;
	[tilespmem:$0x16180] =	vst v63  }
0x143: {  	v3 =	vld [tilespmem:$0x15E80];
	_ =	sdelay $0x4  }
0x144: {  	v52 =	vperm.xlane v3, v0;
	_ =	sdelay $0x1  }
0x145: {  	v3 =	vperm.xlane v3, v2;
	v4 =	vadd.s32 v1, v52;
	_ =	sdelay $0x1  }
0x146: {  	v3 =	vadd.s32 v1, v3;
	_ =	sdelay $0x1  }
0x147: {  	s20 =	simm.s32 $0xC180  }
0x148: {  	[tilespmem:s20], [sflag:$0x2] =	stream.indirect_vreg.gather [hbm4b:s2+s3], $0x80, v4, vm0, $0xb8;
	[tilespmem:$0x16180] =	vst v63  }
0x149: {  	s21 =	simm.s32 $0xE180  }
0x14a: {  	[tilespmem:s21], [sflag:$0x2] =	stream.indirect_vreg.gather [hbm4b:s2+s3], $0x80, v3, vm0, $0xb8;
	[tilespmem:$0x16180] =	vst v63  }
0x14b: {  	v3 =	vld [tilespmem:$0x15E90];
	_ =	sdelay $0x4  }
0x14c: {  	v53 =	vperm.xlane v3, v0;
	_ =	sdelay $0x1  }
0x14d: {  	v3 =	vperm.xlane v3, v2;
	v4 =	vadd.s32 v1, v53;
	_ =	sdelay $0x1  }
0x14e: {  	v3 =	vadd.s32 v1, v3;
	_ =	sdelay $0x1  }
0x14f: {  	s20 =	simm.s32 $0x10180  }
0x150: {  	[tilespmem:s20], [sflag:$0x2] =	stream.indirect_vreg.gather [hbm4b:s2+s3], $0x80, v4, vm0, $0xb8;
	[tilespmem:$0x16180] =	vst v63  }
0x151: {  	s21 =	simm.s32 $0x12180  }
0x152: {  	[tilespmem:s21], [sflag:$0x2] =	stream.indirect_vreg.gather [hbm4b:s2+s3], $0x80, v3, vm0, $0xb8;
	[tilespmem:$0x16180] =	vst v63  }
0x153: {  	v3 =	vld.msk [tilespmem:$0x15EA0], $0xff;
	_ =	sdelay $0x4  }
0x154: {  	v3 =	vperm.xlane v3, v0;
	_ =	sdelay $0x1  }
0x155: {  	v3 =	vadd.s32 v1, v3;
	_ =	sdelay $0x3  }
0x156: {  	s20 =	simm.s32 $0x14180  }
0x157: {  	[tilespmem:s20], [sflag:$0x2] =	stream.indirect_vreg.gather [hbm4b:s2+s3], $0x80, v3, vm0, $0xb8;
	[tilespmem:$0x16180] =	vst v63  }
0x158: {  	v3 =	vld [tilespmem:$0x15F00];
	_ =	sdelay $0x4  }
0x159: {  	v54 =	vperm.xlane v3, v0;
	_ =	sdelay $0x1  }
0x15a: {  	v3 =	vperm.xlane v3, v2;
	v4 =	vadd.s32 v1, v54;
	_ =	sdelay $0x1  }
0x15b: {  	v3 =	vadd.s32 v1, v3;
	_ =	sdelay $0x1  }
0x15c: {  	s21 =	simm.s32 $0xC580  }
0x15d: {  	[tilespmem:s21], [sflag:$0x2] =	stream.indirect_vreg.gather [hbm4b:s2+s3], $0x80, v4, vm0, $0xb8;
	[tilespmem:$0x16180] =	vst v63  }
0x15e: {  	s20 =	simm.s32 $0xE580  }
0x15f: {  	[tilespmem:s20], [sflag:$0x2] =	stream.indirect_vreg.gather [hbm4b:s2+s3], $0x80, v3, vm0, $0xb8;
	[tilespmem:$0x16180] =	vst v63  }
0x160: {  	v3 =	vld [tilespmem:$0x15F10];
	_ =	sdelay $0x4  }
0x161: {  	v55 =	vperm.xlane v3, v0;
	_ =	sdelay $0x1  }
0x162: {  	v3 =	vperm.xlane v3, v2;
	v4 =	vadd.s32 v1, v55;
	_ =	sdelay $0x1  }
0x163: {  	v3 =	vadd.s32 v1, v3;
	_ =	sdelay $0x1  }
0x164: {  	s21 =	simm.s32 $0x10580  }
0x165: {  	[tilespmem:s21], [sflag:$0x2] =	stream.indirect_vreg.gather [hbm4b:s2+s3], $0x80, v4, vm0, $0xb8;
	[tilespmem:$0x16180] =	vst v63  }
0x166: {  	s20 =	simm.s32 $0x12580  }
0x167: {  	[tilespmem:s20], [sflag:$0x2] =	stream.indirect_vreg.gather [hbm4b:s2+s3], $0x80, v3, vm0, $0xb8;
	[tilespmem:$0x16180] =	vst v63  }
0x168: {  	v3 =	vld.msk [tilespmem:$0x15F20], $0xff;
	_ =	sdelay $0x4  }
0x169: {  	v3 =	vperm.xlane v3, v0;
	_ =	sdelay $0x1  }
0x16a: {  	v3 =	vadd.s32 v1, v3;
	_ =	sdelay $0x3  }
0x16b: {  	s21 =	simm.s32 $0x14580  }
0x16c: {  	[tilespmem:s21], [sflag:$0x2] =	stream.indirect_vreg.gather [hbm4b:s2+s3], $0x80, v3, vm0, $0xb8;
	[tilespmem:$0x16180] =	vst v63  }
0x16d: {  	v3 =	vld [tilespmem:$0x15F80];
	_ =	sdelay $0x4  }
0x16e: {  	v56 =	vperm.xlane v3, v0;
	_ =	sdelay $0x1  }
0x16f: {  	v3 =	vperm.xlane v3, v2;
	v4 =	vadd.s32 v1, v56;
	_ =	sdelay $0x1  }
0x170: {  	v3 =	vadd.s32 v1, v3;
	_ =	sdelay $0x1  }
0x171: {  	s20 =	simm.s32 $0xC980  }
0x172: {  	[tilespmem:s20], [sflag:$0x2] =	stream.indirect_vreg.gather [hbm4b:s2+s3], $0x80, v4, vm0, $0xb8;
	[tilespmem:$0x16180] =	vst v63  }
0x173: {  	s21 =	simm.s32 $0xE980  }
0x174: {  	[tilespmem:s21], [sflag:$0x2] =	stream.indirect_vreg.gather [hbm4b:s2+s3], $0x80, v3, vm0, $0xb8;
	[tilespmem:$0x16180] =	vst v63  }
0x175: {  	v3 =	vld [tilespmem:$0x15F90];
	_ =	sdelay $0x4  }
0x176: {  	v57 =	vperm.xlane v3, v0;
	_ =	sdelay $0x1  }
0x177: {  	v3 =	vperm.xlane v3, v2;
	v4 =	vadd.s32 v1, v57;
	_ =	sdelay $0x1  }
0x178: {  	v3 =	vadd.s32 v1, v3;
	_ =	sdelay $0x1  }
0x179: {  	s20 =	simm.s32 $0x10980  }
0x17a: {  	[tilespmem:s20], [sflag:$0x2] =	stream.indirect_vreg.gather [hbm4b:s2+s3], $0x80, v4, vm0, $0xb8;
	[tilespmem:$0x16180] =	vst v63  }
0x17b: {  	_ = 	snop  }
0x17c: {  	[tilespmem:s22], [sflag:$0x2] =	stream.indirect_vreg.gather [hbm4b:s2+s3], $0x80, v3, vm0, $0xb8;
	[tilespmem:$0x16180] =	vst v63  }
0x17d: {  	v3 =	vld.msk [tilespmem:$0x15FA0], $0xff;
	_ =	sdelay $0x4  }
0x17e: {  	v3 =	vperm.xlane v3, v0;
	_ =	sdelay $0x1  }
0x17f: {  	v3 =	vadd.s32 v1, v3;
	_ =	sdelay $0x4  }
0x180: {  	[tilespmem:s23], [sflag:$0x2] =	stream.indirect_vreg.gather [hbm4b:s2+s3], $0x80, v3, vm0, $0xb8;
	[tilespmem:$0x16180] =	vst v63  }
0x181: {  	v3 =	vld [tilespmem:$0x16000];
	_ =	sdelay $0x4  }
0x182: {  	v58 =	vperm.xlane v3, v0;
	_ =	sdelay $0x1  }
0x183: {  	v3 =	vperm.xlane v3, v2;
	v4 =	vadd.s32 v1, v58;
	_ =	sdelay $0x1  }
0x184: {  	v3 =	vadd.s32 v1, v3;
	_ =	sdelay $0x2  }
0x185: {  	[tilespmem:s25], [sflag:$0x2] =	stream.indirect_vreg.gather [hbm4b:s2+s3], $0x80, v4, vm0, $0xb8;
	[tilespmem:$0x16180] =	vst v63  }
0x186: {  	_ = 	snop  }
0x187: {  	[tilespmem:s26], [sflag:$0x2] =	stream.indirect_vreg.gather [hbm4b:s2+s3], $0x80, v3, vm0, $0xb8;
	[tilespmem:$0x16180] =	vst v63  }
0x188: {  	v3 =	vld [tilespmem:$0x16010];
	_ =	sdelay $0x4  }
0x189: {  	v59 =	vperm.xlane v3, v0;
	_ =	sdelay $0x1  }
0x18a: {  	v3 =	vperm.xlane v3, v2;
	v4 =	vadd.s32 v1, v59;
	_ =	sdelay $0x1  }
0x18b: {  	v3 =	vadd.s32 v1, v3;
	_ =	sdelay $0x2  }
0x18c: {  	[tilespmem:s28], [sflag:$0x2] =	stream.indirect_vreg.gather [hbm4b:s2+s3], $0x80, v4, vm0, $0xb8;
	[tilespmem:$0x16180] =	vst v63  }
0x18d: {  	_ = 	snop  }
0x18e: {  	[tilespmem:s29], [sflag:$0x2] =	stream.indirect_vreg.gather [hbm4b:s2+s3], $0x80, v3, vm0, $0xb8;
	[tilespmem:$0x16180] =	vst v63  }
0x18f: {  	v3 =	vld.msk [tilespmem:$0x16020], $0xff;
	_ =	sdelay $0x4  }
0x190: {  	v3 =	vperm.xlane v3, v0;
	_ =	sdelay $0x1  }
0x191: {  	v3 =	vadd.s32 v1, v3;
	_ =	sdelay $0x4  }
0x192: {  	[tilespmem:s30], [sflag:$0x2] =	stream.indirect_vreg.gather [hbm4b:s2+s3], $0x80, v3, vm0, $0xb8;
	[tilespmem:$0x16180] =	vst v63  }
0x193: {  	v3 =	vld [tilespmem:$0x16080];
	_ =	sdelay $0x4  }
0x194: {  	v60 =	vperm.xlane v3, v0;
	_ =	sdelay $0x1  }
0x195: {  	v3 =	vperm.xlane v3, v2;
	v4 =	vadd.s32 v1, v60;
	_ =	sdelay $0x1  }
0x196: {  	v3 =	vadd.s32 v1, v3;
	_ =	sdelay $0x2  }
0x197: {  	[tilespmem:s31], [sflag:$0x2] =	stream.indirect_vreg.gather [hbm4b:s2+s3], $0x80, v4, vm0, $0xb8;
	[tilespmem:$0x16180] =	vst v63  }
0x198: {  	_ = 	snop  }
0x199: {  	[tilespmem:s1], [sflag:$0x2] =	stream.indirect_vreg.gather [hbm4b:s2+s3], $0x80, v3, vm0, $0xb8;
	[tilespmem:$0x16180] =	vst v63  }
0x19a: {  	v3 =	vld [tilespmem:$0x16090];
	_ =	sdelay $0x4  }
0x19b: {  	v61 =	vperm.xlane v3, v0;
	_ =	sdelay $0x1  }
0x19c: {  	v3 =	vperm.xlane v3, v2;
	v4 =	vadd.s32 v1, v61;
	_ =	sdelay $0x1  }
0x19d: {  	v3 =	vadd.s32 v1, v3;
	_ =	sdelay $0x2  }
0x19e: {  	[tilespmem:s0], [sflag:$0x2] =	stream.indirect_vreg.gather [hbm4b:s2+s3], $0x80, v4, vm0, $0xb8;
	[tilespmem:$0x16180] =	vst v63  }
0x19f: {  	_ = 	snop  }
0x1a0: {  	[tilespmem:s6], [sflag:$0x2] =	stream.indirect_vreg.gather [hbm4b:s2+s3], $0x80, v3, vm0, $0xb8;
	[tilespmem:$0x16180] =	vst v63  }
0x1a1: {  	v3 =	vld.msk [tilespmem:$0x160A0], $0xff;
	_ =	sdelay $0x4  }
0x1a2: {  	v3 =	vperm.xlane v3, v0;
	_ =	sdelay $0x1  }
0x1a3: {  	v3 =	vadd.s32 v1, v3;
	_ =	sdelay $0x4  }
0x1a4: {  	[tilespmem:s7], [sflag:$0x2] =	stream.indirect_vreg.gather [hbm4b:s2+s3], $0x80, v3, vm0, $0xb8;
	[tilespmem:$0x16180] =	vst v63  }
0x1a5: {  	v3 =	vld [tilespmem:$0x16100];
	_ =	sdelay $0x4  }
0x1a6: {  	v62 =	vperm.xlane v3, v0;
	_ =	sdelay $0x1  }
0x1a7: {  	v3 =	vperm.xlane v3, v2;
	v4 =	vadd.s32 v1, v62;
	_ =	sdelay $0x1  }
0x1a8: {  	v3 =	vadd.s32 v1, v3;
	_ =	sdelay $0x2  }
0x1a9: {  	[tilespmem:s10], [sflag:$0x2] =	stream.indirect_vreg.gather [hbm4b:s2+s3], $0x80, v4, vm0, $0xb8;
	[tilespmem:$0x16180] =	vst v63  }
0x1aa: {  	_ = 	snop  }
0x1ab: {  	[tilespmem:s11], [sflag:$0x2] =	stream.indirect_vreg.gather [hbm4b:s2+s3], $0x80, v3, vm0, $0xb8;
	[tilespmem:$0x16180] =	vst v63  }
0x1ac: {  	v3 =	vld [tilespmem:$0x16110];
	_ =	sdelay $0x4  }
0x1ad: {  	v63 =	vperm.xlane v3, v0;
	_ =	sdelay $0x1  }
0x1ae: {  	v3 =	vperm.xlane v3, v2;
	v4 =	vadd.s32 v1, v63;
	_ =	sdelay $0x1  }
0x1af: {  	v3 =	vadd.s32 v1, v3;
	_ =	sdelay $0x2  }
0x1b0: {  	[tilespmem:s12], [sflag:$0x2] =	stream.indirect_vreg.gather [hbm4b:s2+s3], $0x80, v4, vm0, $0xb8;
	[tilespmem:$0x16180] =	vst v63  }
0x1b1: {  	_ = 	snop  }
0x1b2: {  	[tilespmem:s13], [sflag:$0x2] =	stream.indirect_vreg.gather [hbm4b:s2+s3], $0x80, v3, vm0, $0xb8;
	[tilespmem:$0x16180] =	vst v63  }
0x1b3: {  	v3 =	vld.msk [tilespmem:$0x16120], $0xff;
	_ =	sdelay $0x4  }
0x1b4: {  	v3 =	vperm.xlane v3, v0;
	_ =	sdelay $0x1  }
0x1b5: {  	v3 =	vadd.s32 v1, v3;
	_ =	sdelay $0x4  }
0x1b6: {  	[tilespmem:s14], [sflag:$0x2] =	stream.indirect_vreg.gather [hbm4b:s2+s3], $0x80, v3, vm0, $0xb8;
	[tilespmem:$0x16180] =	vst v63  }
0x1b7: {  	_ =	swait.ge [sflag:s15], $0x1400  }
0x1b8: {  	[sflag:s15] =	ssyncset.done $0x0  }
0x1b9: {  	[sflag:s15] =	ssyncadd.s32 $0xFFFFEC00  }
0x1ba: {  	_ =	swait.ge [sflag:s15], $0x1400  }
0x1bb: {  	[sflag:s15] =	ssyncset.done $0x0  }
0x1bc: {  	[sflag:s15] =	ssyncadd.s32 $0xFFFFEC00  }
0x1bd: {  	_ =	swait.ge [sflag:s15], $0x1400  }
0x1be: {  	[sflag:s15] =	ssyncset.done $0x0  }
0x1bf: {  	[sflag:s15] =	ssyncadd.s32 $0xFFFFEC00  }
0x1c0: {  	_ =	swait.ge [sflag:s15], $0x1400  }
0x1c1: {  	[sflag:s15] =	ssyncset.done $0x0  }
0x1c2: {  	[sflag:s15] =	ssyncadd.s32 $0xFFFFEC00  }
0x1c3: {  	_ =	swait.ge [sflag:s15], $0x1400  }
0x1c4: {  	s21 =	smul.u32 $0xCD, s17;
	[sflag:s15] =	ssyncset.done $0x0  }
0x1c5: {  	[sflag:s15] =	ssyncadd.s32 $0xFFFFEC00  }
0x1c6: {  	s19 =	sshrl.u32 s21, $0xA;
	_ =	swait.ge [sflag:s15], $0x1400  }
0x1c7: {  	s19 =	sand.u32 $0x3F, s19;
	[sflag:s15] =	ssyncset.done $0x0  }
0x1c8: {  	s20 =	smul.u32 $0x5, s19;
	[sflag:s15] =	ssyncadd.s32 $0xFFFFEC00  }
0x1c9: {  	_ =	swait.ge [sflag:s15], $0x1400  }
0x1ca: {  	s19 =	sadd.s32 s19, s5;
	s20 =	ssub.s32 s17, s20;
	[sflag:s15] =	ssyncset.done $0x0  }
0x1cb: {  	s19 =	smul.u32 $0x6400, s19;
	s20 =	sand.u32 $0xFF, s20;
	[sflag:s15] =	ssyncadd.s32 $0xFFFFEC00  }
0x1cc: {  	s20 =	smul.u32 $0x1400, s20;
	_ =	swait.ge [sflag:s15], $0x1400  }
0x1cd: {  	p0 =	seq.s32 s17, $0x9E;
	s19 =	sadd.s32 s4, s19;
	[sflag:s15] =	ssyncset.done $0x0  }
.Ltmp5:
0x1ce: {  	s19 =	sadd.s32 s20, s19;
	[sflag:s15] =	ssyncadd.s32 $0xFFFFEC00;
	(pc) =	sbr.rel @p0 .LBB2_6-.Ltmp5, $4  }
0x1cf: {  	[hbm4b:s19+s3] =	stream.linear.scatter [tilespmem:s9], [sflag:$0x3], $0xA000, $0x38;
	[tilespmem:$0x16180] =	vst v63  }
0x1d0: {  	_ =	swait.ge [sflag:s8], $0xA000  }
0x1d1: {  	[sflag:s8] =	ssyncset.done $0x0  }
0x1d2: {  	[sflag:s8] =	ssyncadd.s32 $0xFFFF6000  }
0x1d3: {  	v3 =	vld [tilespmem:s18+$0x18];
	_ =	sdelay $0x4  }
0x1d4: {  	[tilespmem:$0x15980] =	vst v3;
	v4 =	vadd.s32 $0x8, v3  }
0x1d5: {  	v32 =	vadd.s32 $0x10, v3;
	[tilespmem:$0x15A00] =	vst v4  }
0x1d6: {  	v33 =	vadd.s32 $0x18, v3;
	[tilespmem:$0x15A80] =	vst v32  }
0x1d7: {  	v34 =	vadd.s32 $0x20, v3;
	[tilespmem:$0x15B00] =	vst v33  }
0x1d8: {  	v35 =	vadd.s32 $0x28, v3;
	[tilespmem:$0x15B80] =	vst v34  }
0x1d9: {  	v36 =	vadd.s32 $0x30, v3;
	[tilespmem:$0x15C00] =	vst v35  }
0x1da: {  	v37 =	vadd.s32 $0x38, v3;
	[tilespmem:$0x15C80] =	vst v36  }
0x1db: {  	[tilespmem:$0x15D00] =	vst v37  }
0x1dc: {  	v4 =	vld [tilespmem:s18+$0x28];
	_ =	sdelay $0x4  }
0x1dd: {  	[tilespmem:$0x15990] =	vst v4;
	v5 =	vadd.s32 $0x8, v4  }
0x1de: {  	v38 =	vadd.s32 $0x10, v4;
	[tilespmem:$0x15A10] =	vst v5  }
0x1df: {  	v39 =	vadd.s32 $0x18, v4;
	[tilespmem:$0x15A90] =	vst v38  }
0x1e0: {  	v40 =	vadd.s32 $0x20, v4;
	[tilespmem:$0x15B10] =	vst v39  }
0x1e1: {  	v41 =	vadd.s32 $0x28, v4;
	[tilespmem:$0x15B90] =	vst v40  }
0x1e2: {  	v42 =	vadd.s32 $0x30, v4;
	[tilespmem:$0x15C10] =	vst v41  }
0x1e3: {  	v4 =	vadd.s32 $0x38, v4;
	[tilespmem:$0x15C90] =	vst v42  }
0x1e4: {  	[tilespmem:$0x15D10] =	vst v4  }
0x1e5: {  	v4 =	vld [tilespmem:s18+$0x38];
	_ =	sdelay $0x4  }
0x1e6: {  	v43 =	vadd.s32 $0x8, v4;
	[tilespmem:$0x159A0] =	vst v4  }
0x1e7: {  	v6 =	vperm.xlane v3, v0;
	v44 =	vadd.s32 $0x10, v4;
	[tilespmem:$0x15A20] =	vst v43  }
0x1e8: {  	v45 =	vadd.s32 $0x18, v4;
	[tilespmem:$0x15AA0] =	vst v44  }
0x1e9: {  	v3 =	vperm.xlane v3, v2;
	v6 =	vadd.s32 v1, v6;
	v46 =	vadd.s32 $0x20, v4;
	[tilespmem:$0x15B20] =	vst v45  }
0x1ea: {  	v47 =	vadd.s32 $0x28, v4;
	[tilespmem:$0x15BA0] =	vst v46  }
0x1eb: {  	v3 =	vadd.s32 v1, v3;
	v48 =	vadd.s32 $0x30, v4;
	[tilespmem:$0x15C20] =	vst v47  }
0x1ec: {  	v4 =	vadd.s32 $0x38, v4;
	[tilespmem:$0x15CA0] =	vst v48  }
0x1ed: {  	[tilespmem:$0x15D20] =	vst v4  }
0x1ee: {  	[tilespmem:s9], [sflag:$0x1] =	stream.indirect_vreg.gather [hbm4b:s2+s3], $0x80, v6, vm0, $0xb8;
	[tilespmem:$0x16180] =	vst v63  }
0x1ef: {  	s19 =	simm.s32 $0x3980  }
0x1f0: {  	[tilespmem:s19], [sflag:$0x1] =	stream.indirect_vreg.gather [hbm4b:s2+s3], $0x80, v3, vm0, $0xb8;
	[tilespmem:$0x16180] =	vst v63  }
0x1f1: {  	v3 =	vld [tilespmem:$0x15990];
	_ =	sdelay $0x4  }
0x1f2: {  	v49 =	vperm.xlane v3, v0;
	_ =	sdelay $0x1  }
0x1f3: {  	v3 =	vperm.xlane v3, v2;
	v4 =	vadd.s32 v1, v49;
	_ =	sdelay $0x1  }
0x1f4: {  	v3 =	vadd.s32 v1, v3;
	_ =	sdelay $0x1  }
0x1f5: {  	s20 =	simm.s32 $0x5980  }
0x1f6: {  	[tilespmem:s20], [sflag:$0x1] =	stream.indirect_vreg.gather [hbm4b:s2+s3], $0x80, v4, vm0, $0xb8;
	[tilespmem:$0x16180] =	vst v63  }
0x1f7: {  	s21 =	simm.s32 $0x7980  }
0x1f8: {  	[tilespmem:s21], [sflag:$0x1] =	stream.indirect_vreg.gather [hbm4b:s2+s3], $0x80, v3, vm0, $0xb8;
	[tilespmem:$0x16180] =	vst v63  }
0x1f9: {  	v3 =	vld.msk [tilespmem:$0x159A0], $0xff;
	_ =	sdelay $0x4  }
0x1fa: {  	v3 =	vperm.xlane v3, v0;
	_ =	sdelay $0x1  }
0x1fb: {  	v3 =	vadd.s32 v1, v3;
	_ =	sdelay $0x3  }
0x1fc: {  	s20 =	simm.s32 $0x9980  }
0x1fd: {  	[tilespmem:s20], [sflag:$0x1] =	stream.indirect_vreg.gather [hbm4b:s2+s3], $0x80, v3, vm0, $0xb8;
	[tilespmem:$0x16180] =	vst v63  }
0x1fe: {  	v3 =	vld [tilespmem:$0x15A00];
	_ =	sdelay $0x4  }
0x1ff: {  	v50 =	vperm.xlane v3, v0;
	_ =	sdelay $0x1  }
0x200: {  	v3 =	vperm.xlane v3, v2;
	v4 =	vadd.s32 v1, v50;
	_ =	sdelay $0x1  }
0x201: {  	v3 =	vadd.s32 v1, v3;
	_ =	sdelay $0x1  }
0x202: {  	s21 =	simm.s32 $0x1D80  }
0x203: {  	[tilespmem:s21], [sflag:$0x1] =	stream.indirect_vreg.gather [hbm4b:s2+s3], $0x80, v4, vm0, $0xb8;
	[tilespmem:$0x16180] =	vst v63  }
0x204: {  	s20 =	simm.s32 $0x3D80  }
0x205: {  	[tilespmem:s20], [sflag:$0x1] =	stream.indirect_vreg.gather [hbm4b:s2+s3], $0x80, v3, vm0, $0xb8;
	[tilespmem:$0x16180] =	vst v63  }
0x206: {  	v3 =	vld [tilespmem:$0x15A10];
	_ =	sdelay $0x4  }
0x207: {  	v51 =	vperm.xlane v3, v0;
	_ =	sdelay $0x1  }
0x208: {  	v3 =	vperm.xlane v3, v2;
	v4 =	vadd.s32 v1, v51;
	_ =	sdelay $0x1  }
0x209: {  	v3 =	vadd.s32 v1, v3;
	_ =	sdelay $0x1  }
0x20a: {  	s21 =	simm.s32 $0x5D80  }
0x20b: {  	[tilespmem:s21], [sflag:$0x1] =	stream.indirect_vreg.gather [hbm4b:s2+s3], $0x80, v4, vm0, $0xb8;
	[tilespmem:$0x16180] =	vst v63  }
0x20c: {  	s20 =	simm.s32 $0x7D80  }
0x20d: {  	[tilespmem:s20], [sflag:$0x1] =	stream.indirect_vreg.gather [hbm4b:s2+s3], $0x80, v3, vm0, $0xb8;
	[tilespmem:$0x16180] =	vst v63  }
0x20e: {  	v3 =	vld.msk [tilespmem:$0x15A20], $0xff;
	_ =	sdelay $0x4  }
0x20f: {  	v3 =	vperm.xlane v3, v0;
	_ =	sdelay $0x1  }
0x210: {  	v3 =	vadd.s32 v1, v3;
	_ =	sdelay $0x3  }
0x211: {  	s21 =	simm.s32 $0x9D80  }
0x212: {  	[tilespmem:s21], [sflag:$0x1] =	stream.indirect_vreg.gather [hbm4b:s2+s3], $0x80, v3, vm0, $0xb8;
	[tilespmem:$0x16180] =	vst v63  }
0x213: {  	v3 =	vld [tilespmem:$0x15A80];
	_ =	sdelay $0x4  }
0x214: {  	v52 =	vperm.xlane v3, v0;
	_ =	sdelay $0x1  }
0x215: {  	v3 =	vperm.xlane v3, v2;
	v4 =	vadd.s32 v1, v52;
	_ =	sdelay $0x1  }
0x216: {  	v3 =	vadd.s32 v1, v3;
	_ =	sdelay $0x1  }
0x217: {  	s20 =	simm.s32 $0x2180  }
0x218: {  	[tilespmem:s20], [sflag:$0x1] =	stream.indirect_vreg.gather [hbm4b:s2+s3], $0x80, v4, vm0, $0xb8;
	[tilespmem:$0x16180] =	vst v63  }
0x219: {  	s21 =	simm.s32 $0x4180  }
0x21a: {  	[tilespmem:s21], [sflag:$0x1] =	stream.indirect_vreg.gather [hbm4b:s2+s3], $0x80, v3, vm0, $0xb8;
	[tilespmem:$0x16180] =	vst v63  }
0x21b: {  	v3 =	vld [tilespmem:$0x15A90];
	_ =	sdelay $0x4  }
0x21c: {  	v53 =	vperm.xlane v3, v0;
	_ =	sdelay $0x1  }
0x21d: {  	v3 =	vperm.xlane v3, v2;
	v4 =	vadd.s32 v1, v53;
	_ =	sdelay $0x1  }
0x21e: {  	v3 =	vadd.s32 v1, v3;
	_ =	sdelay $0x1  }
0x21f: {  	s20 =	simm.s32 $0x6180  }
0x220: {  	[tilespmem:s20], [sflag:$0x1] =	stream.indirect_vreg.gather [hbm4b:s2+s3], $0x80, v4, vm0, $0xb8;
	[tilespmem:$0x16180] =	vst v63  }
0x221: {  	s21 =	simm.s32 $0x8180  }
0x222: {  	[tilespmem:s21], [sflag:$0x1] =	stream.indirect_vreg.gather [hbm4b:s2+s3], $0x80, v3, vm0, $0xb8;
	[tilespmem:$0x16180] =	vst v63  }
0x223: {  	v3 =	vld.msk [tilespmem:$0x15AA0], $0xff;
	_ =	sdelay $0x4  }
0x224: {  	v3 =	vperm.xlane v3, v0;
	_ =	sdelay $0x1  }
0x225: {  	v3 =	vadd.s32 v1, v3;
	_ =	sdelay $0x3  }
0x226: {  	s20 =	simm.s32 $0xA180  }
0x227: {  	[tilespmem:s20], [sflag:$0x1] =	stream.indirect_vreg.gather [hbm4b:s2+s3], $0x80, v3, vm0, $0xb8;
	[tilespmem:$0x16180] =	vst v63  }
0x228: {  	v3 =	vld [tilespmem:$0x15B00];
	_ =	sdelay $0x4  }
0x229: {  	v54 =	vperm.xlane v3, v0;
	_ =	sdelay $0x1  }
0x22a: {  	v3 =	vperm.xlane v3, v2;
	v4 =	vadd.s32 v1, v54;
	_ =	sdelay $0x1  }
0x22b: {  	v3 =	vadd.s32 v1, v3;
	_ =	sdelay $0x1  }
0x22c: {  	s21 =	simm.s32 $0x2580  }
0x22d: {  	[tilespmem:s21], [sflag:$0x1] =	stream.indirect_vreg.gather [hbm4b:s2+s3], $0x80, v4, vm0, $0xb8;
	[tilespmem:$0x16180] =	vst v63  }
0x22e: {  	s20 =	simm.s32 $0x4580  }
0x22f: {  	[tilespmem:s20], [sflag:$0x1] =	stream.indirect_vreg.gather [hbm4b:s2+s3], $0x80, v3, vm0, $0xb8;
	[tilespmem:$0x16180] =	vst v63  }
0x230: {  	v3 =	vld [tilespmem:$0x15B10];
	_ =	sdelay $0x4  }
0x231: {  	v55 =	vperm.xlane v3, v0;
	_ =	sdelay $0x1  }
0x232: {  	v3 =	vperm.xlane v3, v2;
	v4 =	vadd.s32 v1, v55;
	_ =	sdelay $0x1  }
0x233: {  	v3 =	vadd.s32 v1, v3;
	_ =	sdelay $0x1  }
0x234: {  	s21 =	simm.s32 $0x6580  }
0x235: {  	[tilespmem:s21], [sflag:$0x1] =	stream.indirect_vreg.gather [hbm4b:s2+s3], $0x80, v4, vm0, $0xb8;
	[tilespmem:$0x16180] =	vst v63  }
0x236: {  	s20 =	simm.s32 $0x8580  }
0x237: {  	[tilespmem:s20], [sflag:$0x1] =	stream.indirect_vreg.gather [hbm4b:s2+s3], $0x80, v3, vm0, $0xb8;
	[tilespmem:$0x16180] =	vst v63  }
0x238: {  	v3 =	vld.msk [tilespmem:$0x15B20], $0xff;
	_ =	sdelay $0x4  }
0x239: {  	v3 =	vperm.xlane v3, v0;
	_ =	sdelay $0x1  }
0x23a: {  	v3 =	vadd.s32 v1, v3;
	_ =	sdelay $0x3  }
0x23b: {  	s21 =	simm.s32 $0xA580  }
0x23c: {  	[tilespmem:s21], [sflag:$0x1] =	stream.indirect_vreg.gather [hbm4b:s2+s3], $0x80, v3, vm0, $0xb8;
	[tilespmem:$0x16180] =	vst v63  }
0x23d: {  	v3 =	vld [tilespmem:$0x15B80];
	_ =	sdelay $0x4  }
0x23e: {  	v56 =	vperm.xlane v3, v0;
	_ =	sdelay $0x1  }
0x23f: {  	v3 =	vperm.xlane v3, v2;
	v4 =	vadd.s32 v1, v56;
	_ =	sdelay $0x1  }
0x240: {  	v3 =	vadd.s32 v1, v3;
	_ =	sdelay $0x1  }
0x241: {  	s20 =	simm.s32 $0x2980  }
0x242: {  	[tilespmem:s20], [sflag:$0x1] =	stream.indirect_vreg.gather [hbm4b:s2+s3], $0x80, v4, vm0, $0xb8;
	[tilespmem:$0x16180] =	vst v63  }
0x243: {  	s21 =	simm.s32 $0x4980  }
0x244: {  	[tilespmem:s21], [sflag:$0x1] =	stream.indirect_vreg.gather [hbm4b:s2+s3], $0x80, v3, vm0, $0xb8;
	[tilespmem:$0x16180] =	vst v63  }
0x245: {  	v3 =	vld [tilespmem:$0x15B90];
	_ =	sdelay $0x4  }
0x246: {  	v57 =	vperm.xlane v3, v0;
	_ =	sdelay $0x1  }
0x247: {  	v3 =	vperm.xlane v3, v2;
	v4 =	vadd.s32 v1, v57;
	_ =	sdelay $0x1  }
0x248: {  	v3 =	vadd.s32 v1, v3;
	_ =	sdelay $0x1  }
0x249: {  	s20 =	simm.s32 $0x6980  }
0x24a: {  	[tilespmem:s20], [sflag:$0x1] =	stream.indirect_vreg.gather [hbm4b:s2+s3], $0x80, v4, vm0, $0xb8;
	[tilespmem:$0x16180] =	vst v63  }
0x24b: {  	s21 =	simm.s32 $0x8980  }
0x24c: {  	[tilespmem:s21], [sflag:$0x1] =	stream.indirect_vreg.gather [hbm4b:s2+s3], $0x80, v3, vm0, $0xb8;
	[tilespmem:$0x16180] =	vst v63  }
0x24d: {  	v3 =	vld.msk [tilespmem:$0x15BA0], $0xff;
	_ =	sdelay $0x4  }
0x24e: {  	v3 =	vperm.xlane v3, v0;
	_ =	sdelay $0x1  }
0x24f: {  	v3 =	vadd.s32 v1, v3;
	_ =	sdelay $0x3  }
0x250: {  	s20 =	simm.s32 $0xA980  }
0x251: {  	[tilespmem:s20], [sflag:$0x1] =	stream.indirect_vreg.gather [hbm4b:s2+s3], $0x80, v3, vm0, $0xb8;
	[tilespmem:$0x16180] =	vst v63  }
0x252: {  	v3 =	vld [tilespmem:$0x15C00];
	_ =	sdelay $0x4  }
0x253: {  	v58 =	vperm.xlane v3, v0;
	_ =	sdelay $0x1  }
0x254: {  	v3 =	vperm.xlane v3, v2;
	v4 =	vadd.s32 v1, v58;
	_ =	sdelay $0x1  }
0x255: {  	v3 =	vadd.s32 v1, v3;
	_ =	sdelay $0x1  }
0x256: {  	s21 =	simm.s32 $0x2D80  }
0x257: {  	[tilespmem:s21], [sflag:$0x1] =	stream.indirect_vreg.gather [hbm4b:s2+s3], $0x80, v4, vm0, $0xb8;
	[tilespmem:$0x16180] =	vst v63  }
0x258: {  	s20 =	simm.s32 $0x4D80  }
0x259: {  	[tilespmem:s20], [sflag:$0x1] =	stream.indirect_vreg.gather [hbm4b:s2+s3], $0x80, v3, vm0, $0xb8;
	[tilespmem:$0x16180] =	vst v63  }
0x25a: {  	v3 =	vld [tilespmem:$0x15C10];
	_ =	sdelay $0x4  }
0x25b: {  	v59 =	vperm.xlane v3, v0;
	_ =	sdelay $0x1  }
0x25c: {  	v3 =	vperm.xlane v3, v2;
	v4 =	vadd.s32 v1, v59;
	_ =	sdelay $0x1  }
0x25d: {  	v3 =	vadd.s32 v1, v3;
	_ =	sdelay $0x1  }
0x25e: {  	s21 =	simm.s32 $0x6D80  }
0x25f: {  	[tilespmem:s21], [sflag:$0x1] =	stream.indirect_vreg.gather [hbm4b:s2+s3], $0x80, v4, vm0, $0xb8;
	[tilespmem:$0x16180] =	vst v63  }
0x260: {  	s20 =	simm.s32 $0x8D80  }
0x261: {  	[tilespmem:s20], [sflag:$0x1] =	stream.indirect_vreg.gather [hbm4b:s2+s3], $0x80, v3, vm0, $0xb8;
	[tilespmem:$0x16180] =	vst v63  }
0x262: {  	v3 =	vld.msk [tilespmem:$0x15C20], $0xff;
	_ =	sdelay $0x4  }
0x263: {  	v3 =	vperm.xlane v3, v0;
	_ =	sdelay $0x1  }
0x264: {  	v3 =	vadd.s32 v1, v3;
	_ =	sdelay $0x3  }
0x265: {  	s21 =	simm.s32 $0xAD80  }
0x266: {  	[tilespmem:s21], [sflag:$0x1] =	stream.indirect_vreg.gather [hbm4b:s2+s3], $0x80, v3, vm0, $0xb8;
	[tilespmem:$0x16180] =	vst v63  }
0x267: {  	v3 =	vld [tilespmem:$0x15C80];
	_ =	sdelay $0x4  }
0x268: {  	v60 =	vperm.xlane v3, v0;
	_ =	sdelay $0x1  }
0x269: {  	v3 =	vperm.xlane v3, v2;
	v4 =	vadd.s32 v1, v60;
	_ =	sdelay $0x1  }
0x26a: {  	v3 =	vadd.s32 v1, v3;
	_ =	sdelay $0x1  }
0x26b: {  	s20 =	simm.s32 $0x3180  }
0x26c: {  	[tilespmem:s20], [sflag:$0x1] =	stream.indirect_vreg.gather [hbm4b:s2+s3], $0x80, v4, vm0, $0xb8;
	[tilespmem:$0x16180] =	vst v63  }
0x26d: {  	s21 =	simm.s32 $0x5180  }
0x26e: {  	[tilespmem:s21], [sflag:$0x1] =	stream.indirect_vreg.gather [hbm4b:s2+s3], $0x80, v3, vm0, $0xb8;
	[tilespmem:$0x16180] =	vst v63  }
0x26f: {  	v3 =	vld [tilespmem:$0x15C90];
	_ =	sdelay $0x4  }
0x270: {  	v61 =	vperm.xlane v3, v0;
	_ =	sdelay $0x1  }
0x271: {  	v3 =	vperm.xlane v3, v2;
	v4 =	vadd.s32 v1, v61;
	_ =	sdelay $0x1  }
0x272: {  	v3 =	vadd.s32 v1, v3;
	_ =	sdelay $0x1  }
0x273: {  	s20 =	simm.s32 $0x7180  }
0x274: {  	[tilespmem:s20], [sflag:$0x1] =	stream.indirect_vreg.gather [hbm4b:s2+s3], $0x80, v4, vm0, $0xb8;
	[tilespmem:$0x16180] =	vst v63  }
0x275: {  	s21 =	simm.s32 $0x9180  }
0x276: {  	[tilespmem:s21], [sflag:$0x1] =	stream.indirect_vreg.gather [hbm4b:s2+s3], $0x80, v3, vm0, $0xb8;
	[tilespmem:$0x16180] =	vst v63  }
0x277: {  	v3 =	vld.msk [tilespmem:$0x15CA0], $0xff;
	_ =	sdelay $0x4  }
0x278: {  	v3 =	vperm.xlane v3, v0;
	_ =	sdelay $0x1  }
0x279: {  	v3 =	vadd.s32 v1, v3;
	_ =	sdelay $0x3  }
0x27a: {  	s20 =	simm.s32 $0xB180  }
0x27b: {  	[tilespmem:s20], [sflag:$0x1] =	stream.indirect_vreg.gather [hbm4b:s2+s3], $0x80, v3, vm0, $0xb8;
	[tilespmem:$0x16180] =	vst v63  }
0x27c: {  	v3 =	vld [tilespmem:$0x15D00];
	_ =	sdelay $0x4  }
0x27d: {  	v62 =	vperm.xlane v3, v0;
	_ =	sdelay $0x1  }
0x27e: {  	v3 =	vperm.xlane v3, v2;
	v4 =	vadd.s32 v1, v62;
	_ =	sdelay $0x1  }
0x27f: {  	v3 =	vadd.s32 v1, v3;
	_ =	sdelay $0x1  }
0x280: {  	s21 =	simm.s32 $0x3580  }
0x281: {  	[tilespmem:s21], [sflag:$0x1] =	stream.indirect_vreg.gather [hbm4b:s2+s3], $0x80, v4, vm0, $0xb8;
	[tilespmem:$0x16180] =	vst v63  }
0x282: {  	s20 =	simm.s32 $0x5580  }
0x283: {  	[tilespmem:s20], [sflag:$0x1] =	stream.indirect_vreg.gather [hbm4b:s2+s3], $0x80, v3, vm0, $0xb8;
	[tilespmem:$0x16180] =	vst v63  }
0x284: {  	v3 =	vld [tilespmem:$0x15D10];
	_ =	sdelay $0x4  }
0x285: {  	v63 =	vperm.xlane v3, v0;
	_ =	sdelay $0x1  }
0x286: {  	v3 =	vperm.xlane v3, v2;
	v4 =	vadd.s32 v1, v63;
	_ =	sdelay $0x1  }
0x287: {  	v3 =	vadd.s32 v1, v3;
	_ =	sdelay $0x1  }
0x288: {  	s21 =	simm.s32 $0x7580  }
0x289: {  	[tilespmem:s21], [sflag:$0x1] =	stream.indirect_vreg.gather [hbm4b:s2+s3], $0x80, v4, vm0, $0xb8;
	[tilespmem:$0x16180] =	vst v63  }
0x28a: {  	s20 =	simm.s32 $0x9580  }
0x28b: {  	[tilespmem:s20], [sflag:$0x1] =	stream.indirect_vreg.gather [hbm4b:s2+s3], $0x80, v3, vm0, $0xb8;
	[tilespmem:$0x16180] =	vst v63  }
0x28c: {  	v3 =	vld.msk [tilespmem:$0x15D20], $0xff;
	_ =	sdelay $0x4  }
0x28d: {  	v3 =	vperm.xlane v3, v0;
	_ =	sdelay $0x1  }
0x28e: {  	v3 =	vadd.s32 v1, v3  }
.Ltmp6:
0x28f: {  	_ = 	snop;
	(pc) =	sbr.rel .LBB2_6-.Ltmp6, $3  }
0x290: {  	_ =	sdelay $0x1  }
0x291: {  	s21 =	simm.s32 $0xB580  }
0x292: {  	[tilespmem:s21], [sflag:$0x1] =	stream.indirect_vreg.gather [hbm4b:s2+s3], $0x80, v3, vm0, $0xb8;
	[tilespmem:$0x16180] =	vst v63  }
.LBB2_8:
0x293: {  	_ =	sfence.sel $0x180000  }
0x294: {  	[bflag:$0x0] =	sbarrier.arrive $0xFFFF  }
0x295: {  	_ =	strace $0x90000047  }
0x296: {  	s0 =	stileid.u32;
	[bflag:$0x2] =	sbarrier.arrive $0xFFFF  }
0x297: {  	p0 =	sne.s32 s0, $0x0;
	s0 =	rddreg [dreg:$0x2]  }
0x298: {  	s0 =	sadd.s32 @!p0 $0x100000, s0  }
0x299: {  	[sflag:s0] =	ssyncadd.tile.s32 @!p0 $0x1;
	_ =	shalt  }
.Lfunc_end2:
_tile_overlayer_lowered:
.L_overlay_start_2:
0x29a: {  	(tag) =	ssettag $0x2  }
0x29b: {  	s0 =	rddreg [dreg:$0x0];
	s2 =	stileid.u32  }
0x29c: {  	s1 =	rddreg [dreg:$0x1];
	p0 =	sne.s32 s2, $0x0  }
0x29d: {  	s3 =	rddreg [dreg:$0x2];
	[bflag:$0x3] =	sbarrier.arrive $0xFFFF;
	s2 =	simm.s32 @!p0 $0x1C03  }
0x29e: {  	[timem:s3], [sflag:s2] =	dma.local @!p0 [hbm:s0], s1  }
0x29f: {  	s0 =	simm.s32 @!p0 $0x3  }
0x2a0: {  	_ =	swait.ge @!p0 [sflag:s0], s1  }
0x2a1: {  	s1 =	ssub.s32 @!p0 $0x0, s1;
	[sflag:s0] =	ssyncset.done @!p0 $0x0  }
0x2a2: {  	[sflag:s0] =	ssyncadd.s32 @!p0 s1  }
0x2a3: {  	[bflag:$0x3] =	sbarrier.arrive $0xFFFF  }
0x2a4: {  	_ =	shalt  }

</sc_bundles>
